<compile_context>
chip_gen: v7x
topology: tpu7x:2x2x1
jax: 0.10.2.dev20260603
libtpu: 0.0.44.dev20260713+nightly
codegen_flags: <defaults>
</compile_context>

<pallas_src>
import functools

import jax
import jax.numpy as jnp
from jax import lax
from jax.experimental import pallas as pl
from jax.experimental.pallas import tpu as pltpu
from jax.experimental.pallas import tpu_sc as plsc

NC = 2
NS = 16
LANES = 16
CHUNK = 128


def _make_deg_kernel(npad, n_chunks):
    rows = npad // NS
    cpw = -(-n_chunks // (NC * NS))
    mesh = plsc.VectorSubcoreMesh(core_axis_name="c", subcore_axis_name="s")

    @functools.partial(
        pl.kernel,
        mesh=mesh,
        out_type=jax.ShapeDtypeStruct((NC, npad), jnp.float32),
        scratch_types=[
            pltpu.VMEM((cpw, CHUNK), jnp.int32),
            pltpu.VMEM((CHUNK,), jnp.float32),
            pltpu.VMEM((rows,), jnp.float32),
            pltpu.VMEM_SHARED((npad,), jnp.float32),
            pltpu.SemaphoreType.DMA,
        ],
        compiler_params=pltpu.CompilerParams(use_tc_tiling_on_sc=False),
    )
    def deg_kernel(dst_hbm, deg_hbm, idx_v, ones_v, buf_v, acc_sh, sem):
        cid = lax.axis_index("c")
        sid = lax.axis_index("s")
        wid = cid * NS + sid
        lo = n_chunks * wid // (NC * NS)
        cnt = n_chunks * (wid + 1) // (NC * NS) - lo

        def zero_body(k, _):
            buf_v[pl.ds(k * LANES, LANES)] = jnp.zeros((LANES,), jnp.float32)
            return _

        lax.fori_loop(0, rows // LANES, zero_body, None)
        pltpu.sync_copy(buf_v, acc_sh.at[pl.ds(sid * rows, rows)])

        def ones_body(k, _):
            ones_v[pl.ds(k * LANES, LANES)] = jnp.full((LANES,), 1.0, jnp.float32)
            return _

        lax.fori_loop(0, CHUNK // LANES, ones_body, None)
        pltpu.sync_copy(dst_hbm.at[pl.ds(lo, cpw)], idx_v)
        plsc.subcore_barrier()

        def edge_body(j, _):
            pltpu.async_copy(ones_v, acc_sh.at[idx_v.at[j]], sem, add=True)
            return _

        lax.fori_loop(0, cnt, edge_body, None)

        def drain_body(j, _):
            pltpu.make_async_copy(ones_v, acc_sh.at[idx_v.at[0]], sem).wait()
            return _

        lax.fori_loop(0, cnt, drain_body, None)
        plsc.subcore_barrier()
        pltpu.sync_copy(
            acc_sh.at[pl.ds(sid * rows, rows)],
            deg_hbm.at[cid, pl.ds(sid * rows, rows)],
        )

    return deg_kernel


def _make_agg_kernel(npad, feat, n_chunks):
    rows = npad // NS
    half = feat // NC
    cpw = -(-n_chunks // NS)
    steps = 4 * (-(-(cpw + 2) // 4))
    mesh = plsc.VectorSubcoreMesh(core_axis_name="c", subcore_axis_name="s")

    @functools.partial(
        pl.kernel,
        mesh=mesh,
        out_type=jax.ShapeDtypeStruct((npad, feat), jnp.float32),
        scratch_types=[
            pltpu.VMEM((cpw, CHUNK), jnp.int32),
            pltpu.VMEM((cpw, CHUNK), jnp.int32),
            [pltpu.VMEM((CHUNK, half), jnp.float32)] * 4,
            [pltpu.SemaphoreType.DMA] * 4,
            [pltpu.SemaphoreType.DMA] * 4,
            pltpu.VMEM_SHARED((npad, half), jnp.float32),
            pltpu.VMEM_SHARED((npad, half), jnp.float32),
        ],
        compiler_params=pltpu.CompilerParams(use_tc_tiling_on_sc=False),
    )
    def agg_kernel(
        g_hbm, src_hbm, dst_hbm, acc_hbm, src_v, dst_v, bufs, gsem, ssem, g_sh, acc_sh
    ):
        cid = lax.axis_index("c")
        sid = lax.axis_index("s")
        lo = n_chunks * sid // NS
        cnt = n_chunks * (sid + 1) // NS - lo
        base = sid * rows
        cols = pl.ds(cid * half, half)
        pltpu.sync_copy(g_hbm.at[pl.ds(base, rows), cols], g_sh.at[pl.ds(base, rows)])
        pltpu.sync_copy(g_hbm.at[pl.ds(base, rows), cols], acc_sh.at[pl.ds(base, rows)])
        pltpu.sync_copy(src_hbm.at[pl.ds(lo, cpw)], src_v)
        pltpu.sync_copy(dst_hbm.at[pl.ds(lo, cpw)], dst_v)
        plsc.subcore_barrier()

        for b in range(2):
            pltpu.async_copy(g_sh.at[src_v.at[b]], bufs[b], gsem[b])

        def edge_body(j0, _):
            for b in range(4):
                j = j0 * 4 + b
                b2 = (b + 2) % 4

                @pl.when(j < cnt)
                def _():
                    pltpu.make_async_copy(g_sh.at[src_v.at[j]], bufs[b], gsem[b]).wait()
                    pltpu.async_copy(bufs[b], acc_sh.at[dst_v.at[j]], ssem[b], add=True)

                @pl.when((j >= 2) & (j < cnt + 2))
                def _():
                    pltpu.make_async_copy(
                        bufs[b2], acc_sh.at[dst_v.at[j - 2]], ssem[b2]
                    ).wait()

                @pl.when(j + 2 < cnt)
                def _():
                    pltpu.async_copy(g_sh.at[src_v.at[j + 2]], bufs[b2], gsem[b2])
            return _

        lax.fori_loop(0, steps // 4, edge_body, None)
        plsc.subcore_barrier()
        pltpu.sync_copy(
            acc_sh.at[pl.ds(base, rows)], acc_hbm.at[pl.ds(base, rows), cols]
        )

    return agg_kernel


def _tc_linear(x, w, deg):
    def body(x_ref, w_ref, deg_ref, g_ref, d_ref):
        d_ref[...] = lax.rsqrt(deg_ref[0] + deg_ref[1] + 1.0)
        h = jnp.dot(x_ref[...], w_ref[...], preferred_element_type=jnp.float32)
        g_ref[...] = h * d_ref[...]

    npad = x.shape[0]
    return pl.pallas_call(
        body,
        out_shape=(
            jax.ShapeDtypeStruct((npad, w.shape[1]), jnp.float32),
            jax.ShapeDtypeStruct((npad, 1), jnp.float32),
        ),
    )(x, w, deg)


def _tc_mid(acc, dinv, b1, wcat):
    def body(a_ref, d_ref, b_ref, w_ref, o_ref):
        h = jnp.maximum(a_ref[...] * d_ref[...] + b_ref[...], 0.0)
        o_ref[...] = (
            jnp.dot(h, w_ref[...], preferred_element_type=jnp.float32) * d_ref[...]
        )

    return pl.pallas_call(
        body,
        out_shape=jax.ShapeDtypeStruct(acc.shape, jnp.float32),
    )(acc, dinv, b1, wcat)


def _tc_final(acc, dinv, bcat, n, o):
    def body(a_ref, d_ref, b_ref, mu_ref, ls_ref):
        full = a_ref[...] * d_ref[...] + b_ref[...]
        mu_ref[...] = full[:n, :o]
        ls_ref[...] = full[:n, o:]

    return pl.pallas_call(
        body,
        out_shape=(
            jax.ShapeDtypeStruct((n, o), jnp.float32),
            jax.ShapeDtypeStruct((n, o), jnp.float32),
        ),
    )(acc, dinv, bcat)


def kernel(x, edge_index, W1, b1, W_mu, b_mu, W_logstd, b_logstd):
    n = x.shape[0]
    e = edge_index.shape[1]
    npad = ((n + 16 * 32 - 1) // (16 * 32)) * (16 * 32)

    ei = edge_index.astype(jnp.int32)
    src, dst = ei[0], ei[1]
    if e % CHUNK:
        pad = jnp.full((CHUNK - e % CHUNK,), n, jnp.int32)
        src = jnp.concatenate([src, pad])
        dst = jnp.concatenate([dst, pad])
    n_ch = src.shape[0] // CHUNK
    srcc = src.reshape(n_ch, CHUNK)
    dstc = dst.reshape(n_ch, CHUNK)

    xp = jnp.pad(x, ((0, npad - n), (0, 0)))
    wcat = jnp.concatenate([W_mu, W_logstd], axis=1)
    bcat = jnp.concatenate([b_mu, b_logstd]).reshape(1, -1)

    deg = _make_deg_kernel(npad, n_ch)(dstc).reshape(NC, npad, 1)
    agg = _make_agg_kernel(npad, W1.shape[1], n_ch)

    g1, dinv = _tc_linear(xp, W1, deg)
    acc1 = agg(g1, srcc, dstc)
    g2 = _tc_mid(acc1, dinv, b1.reshape(1, -1), wcat)
    acc2 = agg(g2, srcc, dstc)
    return _tc_final(acc2, dinv, bcat, n, W_mu.shape[1])

# --- scband reference (transcript-rebuilt; emitter-appended) ---
"""Pipeline reference for scband-gcnencoder-52716428591567 (READ-ONLY COPY).

The authoritative reference and input builder live on the scoring server;
editing this copy changes nothing except your own understanding.
"""

import jax, jax.numpy as jnp
import numpy as np

N_NODES = 10000
N_EDGES = 320000
IN_CH = 128
HID_CH = 64
OUT_CH = 32


def _glorot(key, shape):
    fan_in, fan_out = shape[0], shape[1]
    limit = jnp.sqrt(6.0 / (fan_in + fan_out))
    return jax.random.uniform(key, shape, minval=-limit, maxval=limit, dtype=jnp.float32)


def setup_inputs(seed: int = 0) -> dict:
    key = jax.random.key(seed)
    ks = jax.random.split(key, 8)
    x = jax.random.normal(ks[0], (N_NODES, IN_CH), dtype=jnp.float32)
    edge_index = jax.random.randint(ks[1], (2, N_EDGES), 0, N_NODES, dtype=jnp.int64)
    W1 = _glorot(ks[2], (IN_CH, HID_CH))
    b1 = jnp.zeros((HID_CH,), dtype=jnp.float32)
    W_mu = _glorot(ks[3], (HID_CH, OUT_CH))
    b_mu = jnp.zeros((OUT_CH,), dtype=jnp.float32)
    W_logstd = _glorot(ks[4], (HID_CH, OUT_CH))
    b_logstd = jnp.zeros((OUT_CH,), dtype=jnp.float32)
    return {"x": x, "edge_index": edge_index, "W1": W1, "b1": b1,
            "W_mu": W_mu, "b_mu": b_mu, "W_logstd": W_logstd, "b_logstd": b_logstd}


def _gcn_conv(x, src, dst, norm, W, b, num_nodes):
    # PyG GCNConv: linear transform, then normalized scatter-add aggregation
    h = x @ W
    msg = jnp.take(h, src, axis=0) * norm[:, None]
    out = jax.ops.segment_sum(msg, dst, num_segments=num_nodes)
    return out + b


def _gcn_norm(edge_index, num_nodes):
    # add self loops and compute symmetric normalization D^-1/2 (A+I) D^-1/2
    loop = jnp.arange(num_nodes, dtype=edge_index.dtype)
    src = jnp.concatenate([edge_index[0], loop])
    dst = jnp.concatenate([edge_index[1], loop])
    ones = jnp.ones(src.shape[0], dtype=jnp.float32)
    deg = jax.ops.segment_sum(ones, dst, num_segments=num_nodes)
    deg_inv_sqrt = jnp.where(deg > 0, jax.lax.rsqrt(jnp.maximum(deg, 1e-12)), 0.0)
    norm = deg_inv_sqrt[src] * deg_inv_sqrt[dst]
    return src, dst, norm


def reference(x, edge_index, W1, b1, W_mu, b_mu, W_logstd, b_logstd):
    num_nodes = x.shape[0]
    src, dst, norm = _gcn_norm(edge_index, num_nodes)
    h = _gcn_conv(x, src, dst, norm, W1, b1, num_nodes)
    h = jax.nn.relu(h)
    mu = _gcn_conv(h, src, dst, norm, W_mu, b_mu, num_nodes)
    logstd = _gcn_conv(h, src, dst, norm, W_logstd, b_logstd, num_nodes)
    return (mu, logstd)

if __name__ == "__main__":
    import jax
    _d = setup_inputs()
    print(jax.jit(kernel)(*tuple(_d.values())))

</pallas_src>

<mosaic_0001>
#map = affine_map<(d0, d1) -> (0, 0)>
module attributes {stable_mosaic.version = 14 : i64} {
  func.func @agg_kernel(%arg0: i32, %arg1: i32, %arg2: memref<10240x64xf32, #tpu.memory_space<hbm>>, %arg3: memref<2500x128xi32, #tpu.memory_space<hbm>>, %arg4: memref<2500x128xi32, #tpu.memory_space<hbm>>, %arg5: memref<10240x64xf32, #tpu.memory_space<hbm>>, %arg6: memref<157x128xi32, #tpu.memory_space<vmem>>, %arg7: memref<157x128xi32, #tpu.memory_space<vmem>>, %arg8: memref<128x32xf32, #tpu.memory_space<vmem>>, %arg9: memref<128x32xf32, #tpu.memory_space<vmem>>, %arg10: memref<128x32xf32, #tpu.memory_space<vmem>>, %arg11: memref<128x32xf32, #tpu.memory_space<vmem>>, %arg12: memref<!tpu.dma_semaphore, #tpu.memory_space<semaphore_mem>>, %arg13: memref<!tpu.dma_semaphore, #tpu.memory_space<semaphore_mem>>, %arg14: memref<!tpu.dma_semaphore, #tpu.memory_space<semaphore_mem>>, %arg15: memref<!tpu.dma_semaphore, #tpu.memory_space<semaphore_mem>>, %arg16: memref<!tpu.dma_semaphore, #tpu.memory_space<semaphore_mem>>, %arg17: memref<!tpu.dma_semaphore, #tpu.memory_space<semaphore_mem>>, %arg18: memref<!tpu.dma_semaphore, #tpu.memory_space<semaphore_mem>>, %arg19: memref<!tpu.dma_semaphore, #tpu.memory_space<semaphore_mem>>, %arg20: memref<10240x32xf32, #tpu.memory_space<vmem_shared>>, %arg21: memref<10240x32xf32, #tpu.memory_space<vmem_shared>>) attributes {dimension_semantics = [#tpu.dimension_semantics<core_parallel>, #tpu.dimension_semantics<subcore_parallel>], iteration_bounds = array<i64: 2, 16>, scalar_prefetch = 0 : i64, scratch_operands = 16 : i64, tpu.core_type = #tpu.core_type<sc_vector_subcore>, window_params = [{transform_indices = #map}, {transform_indices = #map}, {transform_indices = #map}, {transform_indices = #map}]} {
    %mul3A = arith.constant 2500 : i32
    %mul3A_0 = arith.muli %mul3A, %arg1 : i32
    %jit3A = arith.constant 16 : i32
    %div3A = arith.divsi %mul3A_0, %jit3A : i32
    %sign3A = arith.constant 0 : i32
    %sign3A_1 = arith.cmpi sgt, %mul3A_0, %sign3A : i32
    %sign3A_2 = arith.extui %sign3A_1 : i1 to i32
    %sign3A_3 = arith.constant 0 : i32
    %sign3A_4 = arith.cmpi slt, %mul3A_0, %sign3A_3 : i32
    %sign3A_5 = arith.extui %sign3A_4 : i1 to i32
    %sign3A_6 = arith.subi %sign3A_2, %sign3A_5 : i32
    %sign3A_7 = arith.constant 0 : i32
    %sign3A_8 = arith.cmpi sgt, %jit3A, %sign3A_7 : i32
    %sign3A_9 = arith.extui %sign3A_8 : i1 to i32
    %sign3A_10 = arith.constant 0 : i32
    %sign3A_11 = arith.cmpi slt, %jit3A, %sign3A_10 : i32
    %sign3A_12 = arith.extui %sign3A_11 : i1 to i32
    %sign3A_13 = arith.subi %sign3A_9, %sign3A_12 : i32
    %ne3A = arith.cmpi ne, %sign3A_6, %sign3A_13 : i32
    %rem3A = arith.remsi %mul3A_0, %jit3A : i32
    %ne3A_14 = arith.constant 0 : i32
    %ne3A_15 = arith.cmpi ne, %rem3A, %ne3A_14 : i32
    %and3A = arith.andi %ne3A, %ne3A_15 : i1
    %sub3A = arith.constant 1 : i32
    %sub3A_16 = arith.subi %div3A, %sub3A : i32
    %select_n3A = arith.select %and3A, %sub3A_16, %div3A : i32
    %add3A = arith.constant 1 : i32
    %add3A_17 = arith.addi %arg1, %add3A : i32
    %mul3A_18 = arith.constant 2500 : i32
    %mul3A_19 = arith.muli %mul3A_18, %add3A_17 : i32
    %jit3A_20 = arith.constant 16 : i32
    %div3A_21 = arith.divsi %mul3A_19, %jit3A_20 : i32
    %sign3A_22 = arith.constant 0 : i32
    %sign3A_23 = arith.cmpi sgt, %mul3A_19, %sign3A_22 : i32
    %sign3A_24 = arith.extui %sign3A_23 : i1 to i32
    %sign3A_25 = arith.constant 0 : i32
    %sign3A_26 = arith.cmpi slt, %mul3A_19, %sign3A_25 : i32
    %sign3A_27 = arith.extui %sign3A_26 : i1 to i32
    %sign3A_28 = arith.subi %sign3A_24, %sign3A_27 : i32
    %sign3A_29 = arith.constant 0 : i32
    %sign3A_30 = arith.cmpi sgt, %jit3A_20, %sign3A_29 : i32
    %sign3A_31 = arith.extui %sign3A_30 : i1 to i32
    %sign3A_32 = arith.constant 0 : i32
    %sign3A_33 = arith.cmpi slt, %jit3A_20, %sign3A_32 : i32
    %sign3A_34 = arith.extui %sign3A_33 : i1 to i32
    %sign3A_35 = arith.subi %sign3A_31, %sign3A_34 : i32
    %ne3A_36 = arith.cmpi ne, %sign3A_28, %sign3A_35 : i32
    %rem3A_37 = arith.remsi %mul3A_19, %jit3A_20 : i32
    %ne3A_38 = arith.constant 0 : i32
    %ne3A_39 = arith.cmpi ne, %rem3A_37, %ne3A_38 : i32
    %and3A_40 = arith.andi %ne3A_36, %ne3A_39 : i1
    %sub3A_41 = arith.constant 1 : i32
    %sub3A_42 = arith.subi %div3A_21, %sub3A_41 : i32
    %select_n3A_43 = arith.select %and3A_40, %sub3A_42, %div3A_21 : i32
    %sub3A_44 = arith.subi %select_n3A_43, %select_n3A : i32
    %mul3A_45 = arith.constant 640 : i32
    %mul3A_46 = arith.muli %arg1, %mul3A_45 : i32
    %mul3A_47 = arith.constant 32 : i32
    %mul3A_48 = arith.muli %arg0, %mul3A_47 : i32
    "tpu.region"() ({
      %run_scoped3A = tpu.sem_alloc : memref<!tpu.dma_semaphore, #tpu.memory_space<semaphore_mem>>
      %dma_start3A_67 = arith.constant 0 : i32
      %dma_start3A_68 = tpu.memref_slice %arg20[%mul3A_46, %dma_start3A_67] : memref<10240x32xf32, #tpu.memory_space<vmem_shared>> -> memref<640x32xf32, #tpu.memory_space<vmem_shared>>
      %dma_start3A_69 = tpu.memref_slice %arg2[%mul3A_46, %mul3A_48] : memref<10240x64xf32, #tpu.memory_space<hbm>> -> memref<640x32xf32, #tpu.memory_space<hbm>>
      tpu.enqueue_dma source(%dma_start3A_69 : memref<640x32xf32, #tpu.memory_space<hbm>>) target(%dma_start3A_68 : memref<640x32xf32, #tpu.memory_space<vmem_shared>>) target_semaphore(%run_scoped3A : memref<!tpu.dma_semaphore, #tpu.memory_space<semaphore_mem>>)
      %dma_wait3A = arith.constant 0 : i32
      %dma_wait3A_70 = tpu.memref_slice %arg20[%mul3A_46, %dma_wait3A] : memref<10240x32xf32, #tpu.memory_space<vmem_shared>> -> memref<640x32xf32, #tpu.memory_space<vmem_shared>>
      %dma_wait3A_71 = tpu.memref_slice %arg2[%mul3A_46, %mul3A_48] : memref<10240x64xf32, #tpu.memory_space<hbm>> -> memref<640x32xf32, #tpu.memory_space<hbm>>
      tpu.wait_dma2 semaphore(%run_scoped3A : memref<!tpu.dma_semaphore, #tpu.memory_space<semaphore_mem>>) src(%dma_wait3A_71 : memref<640x32xf32, #tpu.memory_space<hbm>>) dst(%dma_wait3A_70 : memref<640x32xf32, #tpu.memory_space<vmem_shared>>)
      tpu.yield
    }) : () -> ()
    "tpu.region"() ({
      %run_scoped3A = tpu.sem_alloc : memref<!tpu.dma_semaphore, #tpu.memory_space<semaphore_mem>>
      %dma_start3A_67 = arith.constant 0 : i32
      %dma_start3A_68 = tpu.memref_slice %arg21[%mul3A_46, %dma_start3A_67] : memref<10240x32xf32, #tpu.memory_space<vmem_shared>> -> memref<640x32xf32, #tpu.memory_space<vmem_shared>>
      %dma_start3A_69 = tpu.memref_slice %arg2[%mul3A_46, %mul3A_48] : memref<10240x64xf32, #tpu.memory_space<hbm>> -> memref<640x32xf32, #tpu.memory_space<hbm>>
      tpu.enqueue_dma source(%dma_start3A_69 : memref<640x32xf32, #tpu.memory_space<hbm>>) target(%dma_start3A_68 : memref<640x32xf32, #tpu.memory_space<vmem_shared>>) target_semaphore(%run_scoped3A : memref<!tpu.dma_semaphore, #tpu.memory_space<semaphore_mem>>)
      %dma_wait3A = arith.constant 0 : i32
      %dma_wait3A_70 = tpu.memref_slice %arg21[%mul3A_46, %dma_wait3A] : memref<10240x32xf32, #tpu.memory_space<vmem_shared>> -> memref<640x32xf32, #tpu.memory_space<vmem_shared>>
      %dma_wait3A_71 = tpu.memref_slice %arg2[%mul3A_46, %mul3A_48] : memref<10240x64xf32, #tpu.memory_space<hbm>> -> memref<640x32xf32, #tpu.memory_space<hbm>>
      tpu.wait_dma2 semaphore(%run_scoped3A : memref<!tpu.dma_semaphore, #tpu.memory_space<semaphore_mem>>) src(%dma_wait3A_71 : memref<640x32xf32, #tpu.memory_space<hbm>>) dst(%dma_wait3A_70 : memref<640x32xf32, #tpu.memory_space<vmem_shared>>)
      tpu.yield
    }) : () -> ()
    "tpu.region"() ({
      %run_scoped3A = tpu.sem_alloc : memref<!tpu.dma_semaphore, #tpu.memory_space<semaphore_mem>>
      %dma_start3A_67 = arith.constant 0 : i32
      %dma_start3A_68 = tpu.memref_slice %arg3[%select_n3A, %dma_start3A_67] : memref<2500x128xi32, #tpu.memory_space<hbm>> -> memref<157x128xi32, #tpu.memory_space<hbm>>
      %dma_start3A_69 = arith.constant 0 : i32
      %dma_start3A_70 = tpu.memref_slice %arg3[%select_n3A, %dma_start3A_69] : memref<2500x128xi32, #tpu.memory_space<hbm>> -> memref<157x128xi32, #tpu.memory_space<hbm>>
      tpu.enqueue_dma source(%dma_start3A_70 : memref<157x128xi32, #tpu.memory_space<hbm>>) target(%arg6 : memref<157x128xi32, #tpu.memory_space<vmem>>) target_semaphore(%run_scoped3A : memref<!tpu.dma_semaphore, #tpu.memory_space<semaphore_mem>>)
      %dma_wait3A = arith.constant 0 : i32
      %dma_wait3A_71 = tpu.memref_slice %arg3[%select_n3A, %dma_wait3A] : memref<2500x128xi32, #tpu.memory_space<hbm>> -> memref<157x128xi32, #tpu.memory_space<hbm>>
      %dma_wait3A_72 = arith.constant 0 : i32
      %dma_wait3A_73 = tpu.memref_slice %arg3[%select_n3A, %dma_wait3A_72] : memref<2500x128xi32, #tpu.memory_space<hbm>> -> memref<157x128xi32, #tpu.memory_space<hbm>>
      tpu.wait_dma2 semaphore(%run_scoped3A : memref<!tpu.dma_semaphore, #tpu.memory_space<semaphore_mem>>) src(%dma_wait3A_73 : memref<157x128xi32, #tpu.memory_space<hbm>>) dst(%arg6 : memref<157x128xi32, #tpu.memory_space<vmem>>)
      tpu.yield
    }) : () -> ()
    "tpu.region"() ({
      %run_scoped3A = tpu.sem_alloc : memref<!tpu.dma_semaphore, #tpu.memory_space<semaphore_mem>>
      %dma_start3A_67 = arith.constant 0 : i32
      %dma_start3A_68 = tpu.memref_slice %arg4[%select_n3A, %dma_start3A_67] : memref<2500x128xi32, #tpu.memory_space<hbm>> -> memref<157x128xi32, #tpu.memory_space<hbm>>
      %dma_start3A_69 = arith.constant 0 : i32
      %dma_start3A_70 = tpu.memref_slice %arg4[%select_n3A, %dma_start3A_69] : memref<2500x128xi32, #tpu.memory_space<hbm>> -> memref<157x128xi32, #tpu.memory_space<hbm>>
      tpu.enqueue_dma source(%dma_start3A_70 : memref<157x128xi32, #tpu.memory_space<hbm>>) target(%arg7 : memref<157x128xi32, #tpu.memory_space<vmem>>) target_semaphore(%run_scoped3A : memref<!tpu.dma_semaphore, #tpu.memory_space<semaphore_mem>>)
      %dma_wait3A = arith.constant 0 : i32
      %dma_wait3A_71 = tpu.memref_slice %arg4[%select_n3A, %dma_wait3A] : memref<2500x128xi32, #tpu.memory_space<hbm>> -> memref<157x128xi32, #tpu.memory_space<hbm>>
      %dma_wait3A_72 = arith.constant 0 : i32
      %dma_wait3A_73 = tpu.memref_slice %arg4[%select_n3A, %dma_wait3A_72] : memref<2500x128xi32, #tpu.memory_space<hbm>> -> memref<157x128xi32, #tpu.memory_space<hbm>>
      tpu.wait_dma2 semaphore(%run_scoped3A : memref<!tpu.dma_semaphore, #tpu.memory_space<semaphore_mem>>) src(%dma_wait3A_73 : memref<157x128xi32, #tpu.memory_space<hbm>>) dst(%arg7 : memref<157x128xi32, #tpu.memory_space<vmem>>)
      tpu.yield
    }) : () -> ()
    %barrier3A = arith.constant 0 : index
    tpu.barrier barrier_id(%barrier3A)
    %dma_start3A = arith.constant 0 : i32
    %dma_start3A_49 = arith.constant 0 : i32
    %dma_start3A_50 = tpu.memref_slice %arg6[%dma_start3A, %dma_start3A_49] : memref<157x128xi32, #tpu.memory_space<vmem>> -> memref<1x128xi32, #tpu.memory_space<vmem>>
    %dma_start3A_51 = tpu.memref_squeeze %dma_start3A_50 : memref<1x128xi32, #tpu.memory_space<vmem>> -> memref<128xi32, #tpu.memory_space<vmem>>
    %dma_start3A_52 = arith.constant 0 : i32
    %dma_start3A_53 = arith.constant 0 : i32
    %dma_start3A_54 = tpu.memref_slice %arg20[%dma_start3A_52, %dma_start3A_53] : memref<10240x32xf32, #tpu.memory_space<vmem_shared>> -> memref<10240x32xf32, #tpu.memory_space<vmem_shared>>
    tpu.enqueue_indirect_dma source(%dma_start3A_54 : memref<10240x32xf32, #tpu.memory_space<vmem_shared>>) target(%arg8 : memref<128x32xf32, #tpu.memory_space<vmem>>) offsets(%dma_start3A_51 : memref<128xi32, #tpu.memory_space<vmem>>) semaphore(%arg12 : memref<!tpu.dma_semaphore, #tpu.memory_space<semaphore_mem>>)
    %dma_start3A_55 = arith.constant 1 : i32
    %dma_start3A_56 = arith.constant 0 : i32
    %dma_start3A_57 = tpu.memref_slice %arg6[%dma_start3A_55, %dma_start3A_56] : memref<157x128xi32, #tpu.memory_space<vmem>> -> memref<1x128xi32, #tpu.memory_space<vmem>>
    %dma_start3A_58 = tpu.memref_squeeze %dma_start3A_57 : memref<1x128xi32, #tpu.memory_space<vmem>> -> memref<128xi32, #tpu.memory_space<vmem>>
    %dma_start3A_59 = arith.constant 0 : i32
    %dma_start3A_60 = arith.constant 0 : i32
    %dma_start3A_61 = tpu.memref_slice %arg20[%dma_start3A_59, %dma_start3A_60] : memref<10240x32xf32, #tpu.memory_space<vmem_shared>> -> memref<10240x32xf32, #tpu.memory_space<vmem_shared>>
    tpu.enqueue_indirect_dma source(%dma_start3A_61 : memref<10240x32xf32, #tpu.memory_space<vmem_shared>>) target(%arg9 : memref<128x32xf32, #tpu.memory_space<vmem>>) offsets(%dma_start3A_58 : memref<128xi32, #tpu.memory_space<vmem>>) semaphore(%arg13 : memref<!tpu.dma_semaphore, #tpu.memory_space<semaphore_mem>>)
    %scan3A = arith.constant 0 : i32
    %scan3A_62 = arith.constant 40 : i32
    %scan3A_63 = arith.addi %scan3A, %scan3A_62 : i32
    %scan3A_64 = arith.constant 1 : i32
    scf.for %scan3A_67 = %scan3A to %scan3A_63 step %scan3A_64  : i32 {
      %mul3A_68 = arith.constant 4 : i32
      %mul3A_69 = arith.muli %scan3A_67, %mul3A_68 : i32
      %add3A_70 = arith.constant 0 : i32
      %add3A_71 = arith.addi %mul3A_69, %add3A_70 : i32
      %lt3A = arith.cmpi slt, %add3A_71, %sub3A_44 : i32
      %convert_element_type3A = arith.extui %lt3A : i1 to i32
      %cond3A = arith.constant 0 : i32
      %cond3A_72 = arith.cmpi ne, %convert_element_type3A, %cond3A : i32
      scf.if %cond3A_72 {
        %dma_wait3A = arith.constant 0 : i32
        %dma_wait3A_156 = tpu.memref_slice %arg6[%add3A_71, %dma_wait3A] : memref<157x128xi32, #tpu.memory_space<vmem>> -> memref<1x128xi32, #tpu.memory_space<vmem>>
        %dma_wait3A_157 = tpu.memref_squeeze %dma_wait3A_156 : memref<1x128xi32, #tpu.memory_space<vmem>> -> memref<128xi32, #tpu.memory_space<vmem>>
        %dma_wait3A_158 = arith.constant 0 : i32
        %dma_wait3A_159 = arith.constant 0 : i32
        %dma_wait3A_160 = tpu.memref_slice %arg20[%dma_wait3A_158, %dma_wait3A_159] : memref<10240x32xf32, #tpu.memory_space<vmem_shared>> -> memref<10240x32xf32, #tpu.memory_space<vmem_shared>>
        tpu.wait_indirect_dma semaphore(%arg12 : memref<!tpu.dma_semaphore, #tpu.memory_space<semaphore_mem>>) src(%dma_wait3A_160 : memref<10240x32xf32, #tpu.memory_space<vmem_shared>>) dst(%arg8 : memref<128x32xf32, #tpu.memory_space<vmem>>)
        %dma_start3A_161 = arith.constant 0 : i32
        %dma_start3A_162 = tpu.memref_slice %arg7[%add3A_71, %dma_start3A_161] : memref<157x128xi32, #tpu.memory_space<vmem>> -> memref<1x128xi32, #tpu.memory_space<vmem>>
        %dma_start3A_163 = tpu.memref_squeeze %dma_start3A_162 : memref<1x128xi32, #tpu.memory_space<vmem>> -> memref<128xi32, #tpu.memory_space<vmem>>
        %dma_start3A_164 = arith.constant 0 : i32
        %dma_start3A_165 = arith.constant 0 : i32
        %dma_start3A_166 = tpu.memref_slice %arg21[%dma_start3A_164, %dma_start3A_165] : memref<10240x32xf32, #tpu.memory_space<vmem_shared>> -> memref<10240x32xf32, #tpu.memory_space<vmem_shared>>
        tpu.enqueue_indirect_dma source(%arg8 : memref<128x32xf32, #tpu.memory_space<vmem>>) target(%dma_start3A_166 : memref<10240x32xf32, #tpu.memory_space<vmem_shared>>) offsets(%dma_start3A_163 : memref<128xi32, #tpu.memory_space<vmem>>) semaphore(%arg16 : memref<!tpu.dma_semaphore, #tpu.memory_space<semaphore_mem>>) {add = true}
      } else {
      }
      %ge3A = arith.constant 2 : i32
      %ge3A_73 = arith.cmpi sge, %add3A_71, %ge3A : i32
      %add3A_74 = arith.constant 2 : i32
      %add3A_75 = arith.addi %sub3A_44, %add3A_74 : i32
      %lt3A_76 = arith.cmpi slt, %add3A_71, %add3A_75 : i32
      %and3A_77 = arith.andi %ge3A_73, %lt3A_76 : i1
      %convert_element_type3A_78 = arith.extui %and3A_77 : i1 to i32
      %cond3A_79 = arith.constant 0 : i32
      %cond3A_80 = arith.cmpi ne, %convert_element_type3A_78, %cond3A_79 : i32
      scf.if %cond3A_80 {
        %sub3A_156 = arith.constant 2 : i32
        %sub3A_157 = arith.subi %add3A_71, %sub3A_156 : i32
        %dma_wait3A = arith.constant 0 : i32
        %dma_wait3A_158 = tpu.memref_slice %arg7[%sub3A_157, %dma_wait3A] : memref<157x128xi32, #tpu.memory_space<vmem>> -> memref<1x128xi32, #tpu.memory_space<vmem>>
        %dma_wait3A_159 = tpu.memref_squeeze %dma_wait3A_158 : memref<1x128xi32, #tpu.memory_space<vmem>> -> memref<128xi32, #tpu.memory_space<vmem>>
        %dma_wait3A_160 = arith.constant 0 : i32
        %dma_wait3A_161 = arith.constant 0 : i32
        %dma_wait3A_162 = tpu.memref_slice %arg21[%dma_wait3A_160, %dma_wait3A_161] : memref<10240x32xf32, #tpu.memory_space<vmem_shared>> -> memref<10240x32xf32, #tpu.memory_space<vmem_shared>>
        tpu.wait_indirect_dma semaphore(%arg18 : memref<!tpu.dma_semaphore, #tpu.memory_space<semaphore_mem>>) src(%arg10 : memref<128x32xf32, #tpu.memory_space<vmem>>) dst(%dma_wait3A_162 : memref<10240x32xf32, #tpu.memory_space<vmem_shared>>)
      } else {
      }
      %add3A_81 = arith.constant 2 : i32
      %add3A_82 = arith.addi %add3A_71, %add3A_81 : i32
      %lt3A_83 = arith.cmpi slt, %add3A_82, %sub3A_44 : i32
      %convert_element_type3A_84 = arith.extui %lt3A_83 : i1 to i32
      %cond3A_85 = arith.constant 0 : i32
      %cond3A_86 = arith.cmpi ne, %convert_element_type3A_84, %cond3A_85 : i32
      scf.if %cond3A_86 {
        %add3A_156 = arith.constant 2 : i32
        %add3A_157 = arith.addi %add3A_71, %add3A_156 : i32
        %dma_start3A_158 = arith.constant 0 : i32
        %dma_start3A_159 = tpu.memref_slice %arg6[%add3A_157, %dma_start3A_158] : memref<157x128xi32, #tpu.memory_space<vmem>> -> memref<1x128xi32, #tpu.memory_space<vmem>>
        %dma_start3A_160 = tpu.memref_squeeze %dma_start3A_159 : memref<1x128xi32, #tpu.memory_space<vmem>> -> memref<128xi32, #tpu.memory_space<vmem>>
        %dma_start3A_161 = arith.constant 0 : i32
        %dma_start3A_162 = arith.constant 0 : i32
        %dma_start3A_163 = tpu.memref_slice %arg20[%dma_start3A_161, %dma_start3A_162] : memref<10240x32xf32, #tpu.memory_space<vmem_shared>> -> memref<10240x32xf32, #tpu.memory_space<vmem_shared>>
        tpu.enqueue_indirect_dma source(%dma_start3A_163 : memref<10240x32xf32, #tpu.memory_space<vmem_shared>>) target(%arg10 : memref<128x32xf32, #tpu.memory_space<vmem>>) offsets(%dma_start3A_160 : memref<128xi32, #tpu.memory_space<vmem>>) semaphore(%arg14 : memref<!tpu.dma_semaphore, #tpu.memory_space<semaphore_mem>>)
      } else {
      }
      %mul3A_87 = arith.constant 4 : i32
      %mul3A_88 = arith.muli %scan3A_67, %mul3A_87 : i32
      %add3A_89 = arith.constant 1 : i32
      %add3A_90 = arith.addi %mul3A_88, %add3A_89 : i32
      %lt3A_91 = arith.cmpi slt, %add3A_90, %sub3A_44 : i32
      %convert_element_type3A_92 = arith.extui %lt3A_91 : i1 to i32
      %cond3A_93 = arith.constant 0 : i32
      %cond3A_94 = arith.cmpi ne, %convert_element_type3A_92, %cond3A_93 : i32
      scf.if %cond3A_94 {
        %dma_wait3A = arith.constant 0 : i32
        %dma_wait3A_156 = tpu.memref_slice %arg6[%add3A_90, %dma_wait3A] : memref<157x128xi32, #tpu.memory_space<vmem>> -> memref<1x128xi32, #tpu.memory_space<vmem>>
        %dma_wait3A_157 = tpu.memref_squeeze %dma_wait3A_156 : memref<1x128xi32, #tpu.memory_space<vmem>> -> memref<128xi32, #tpu.memory_space<vmem>>
        %dma_wait3A_158 = arith.constant 0 : i32
        %dma_wait3A_159 = arith.constant 0 : i32
        %dma_wait3A_160 = tpu.memref_slice %arg20[%dma_wait3A_158, %dma_wait3A_159] : memref<10240x32xf32, #tpu.memory_space<vmem_shared>> -> memref<10240x32xf32, #tpu.memory_space<vmem_shared>>
        tpu.wait_indirect_dma semaphore(%arg13 : memref<!tpu.dma_semaphore, #tpu.memory_space<semaphore_mem>>) src(%dma_wait3A_160 : memref<10240x32xf32, #tpu.memory_space<vmem_shared>>) dst(%arg9 : memref<128x32xf32, #tpu.memory_space<vmem>>)
        %dma_start3A_161 = arith.constant 0 : i32
        %dma_start3A_162 = tpu.memref_slice %arg7[%add3A_90, %dma_start3A_161] : memref<157x128xi32, #tpu.memory_space<vmem>> -> memref<1x128xi32, #tpu.memory_space<vmem>>
        %dma_start3A_163 = tpu.memref_squeeze %dma_start3A_162 : memref<1x128xi32, #tpu.memory_space<vmem>> -> memref<128xi32, #tpu.memory_space<vmem>>
        %dma_start3A_164 = arith.constant 0 : i32
        %dma_start3A_165 = arith.constant 0 : i32
        %dma_start3A_166 = tpu.memref_slice %arg21[%dma_start3A_164, %dma_start3A_165] : memref<10240x32xf32, #tpu.memory_space<vmem_shared>> -> memref<10240x32xf32, #tpu.memory_space<vmem_shared>>
        tpu.enqueue_indirect_dma source(%arg9 : memref<128x32xf32, #tpu.memory_space<vmem>>) target(%dma_start3A_166 : memref<10240x32xf32, #tpu.memory_space<vmem_shared>>) offsets(%dma_start3A_163 : memref<128xi32, #tpu.memory_space<vmem>>) semaphore(%arg17 : memref<!tpu.dma_semaphore, #tpu.memory_space<semaphore_mem>>) {add = true}
      } else {
      }
      %ge3A_95 = arith.constant 2 : i32
      %ge3A_96 = arith.cmpi sge, %add3A_90, %ge3A_95 : i32
      %add3A_97 = arith.constant 2 : i32
      %add3A_98 = arith.addi %sub3A_44, %add3A_97 : i32
      %lt3A_99 = arith.cmpi slt, %add3A_90, %add3A_98 : i32
      %and3A_100 = arith.andi %ge3A_96, %lt3A_99 : i1
      %convert_element_type3A_101 = arith.extui %and3A_100 : i1 to i32
      %cond3A_102 = arith.constant 0 : i32
      %cond3A_103 = arith.cmpi ne, %convert_element_type3A_101, %cond3A_102 : i32
      scf.if %cond3A_103 {
        %sub3A_156 = arith.constant 2 : i32
        %sub3A_157 = arith.subi %add3A_90, %sub3A_156 : i32
        %dma_wait3A = arith.constant 0 : i32
        %dma_wait3A_158 = tpu.memref_slice %arg7[%sub3A_157, %dma_wait3A] : memref<157x128xi32, #tpu.memory_space<vmem>> -> memref<1x128xi32, #tpu.memory_space<vmem>>
        %dma_wait3A_159 = tpu.memref_squeeze %dma_wait3A_158 : memref<1x128xi32, #tpu.memory_space<vmem>> -> memref<128xi32, #tpu.memory_space<vmem>>
        %dma_wait3A_160 = arith.constant 0 : i32
        %dma_wait3A_161 = arith.constant 0 : i32
        %dma_wait3A_162 = tpu.memref_slice %arg21[%dma_wait3A_160, %dma_wait3A_161] : memref<10240x32xf32, #tpu.memory_space<vmem_shared>> -> memref<10240x32xf32, #tpu.memory_space<vmem_shared>>
        tpu.wait_indirect_dma semaphore(%arg19 : memref<!tpu.dma_semaphore, #tpu.memory_space<semaphore_mem>>) src(%arg11 : memref<128x32xf32, #tpu.memory_space<vmem>>) dst(%dma_wait3A_162 : memref<10240x32xf32, #tpu.memory_space<vmem_shared>>)
      } else {
      }
      %add3A_104 = arith.constant 2 : i32
      %add3A_105 = arith.addi %add3A_90, %add3A_104 : i32
      %lt3A_106 = arith.cmpi slt, %add3A_105, %sub3A_44 : i32
      %convert_element_type3A_107 = arith.extui %lt3A_106 : i1 to i32
      %cond3A_108 = arith.constant 0 : i32
      %cond3A_109 = arith.cmpi ne, %convert_element_type3A_107, %cond3A_108 : i32
      scf.if %cond3A_109 {
        %add3A_156 = arith.constant 2 : i32
        %add3A_157 = arith.addi %add3A_90, %add3A_156 : i32
        %dma_start3A_158 = arith.constant 0 : i32
        %dma_start3A_159 = tpu.memref_slice %arg6[%add3A_157, %dma_start3A_158] : memref<157x128xi32, #tpu.memory_space<vmem>> -> memref<1x128xi32, #tpu.memory_space<vmem>>
        %dma_start3A_160 = tpu.memref_squeeze %dma_start3A_159 : memref<1x128xi32, #tpu.memory_space<vmem>> -> memref<128xi32, #tpu.memory_space<vmem>>
        %dma_start3A_161 = arith.constant 0 : i32
        %dma_start3A_162 = arith.constant 0 : i32
        %dma_start3A_163 = tpu.memref_slice %arg20[%dma_start3A_161, %dma_start3A_162] : memref<10240x32xf32, #tpu.memory_space<vmem_shared>> -> memref<10240x32xf32, #tpu.memory_space<vmem_shared>>
        tpu.enqueue_indirect_dma source(%dma_start3A_163 : memref<10240x32xf32, #tpu.memory_space<vmem_shared>>) target(%arg11 : memref<128x32xf32, #tpu.memory_space<vmem>>) offsets(%dma_start3A_160 : memref<128xi32, #tpu.memory_space<vmem>>) semaphore(%arg15 : memref<!tpu.dma_semaphore, #tpu.memory_space<semaphore_mem>>)
      } else {
      }
      %mul3A_110 = arith.constant 4 : i32
      %mul3A_111 = arith.muli %scan3A_67, %mul3A_110 : i32
      %add3A_112 = arith.constant 2 : i32
      %add3A_113 = arith.addi %mul3A_111, %add3A_112 : i32
      %lt3A_114 = arith.cmpi slt, %add3A_113, %sub3A_44 : i32
      %convert_element_type3A_115 = arith.extui %lt3A_114 : i1 to i32
      %cond3A_116 = arith.constant 0 : i32
      %cond3A_117 = arith.cmpi ne, %convert_element_type3A_115, %cond3A_116 : i32
      scf.if %cond3A_117 {
        %dma_wait3A = arith.constant 0 : i32
        %dma_wait3A_156 = tpu.memref_slice %arg6[%add3A_113, %dma_wait3A] : memref<157x128xi32, #tpu.memory_space<vmem>> -> memref<1x128xi32, #tpu.memory_space<vmem>>
        %dma_wait3A_157 = tpu.memref_squeeze %dma_wait3A_156 : memref<1x128xi32, #tpu.memory_space<vmem>> -> memref<128xi32, #tpu.memory_space<vmem>>
        %dma_wait3A_158 = arith.constant 0 : i32
        %dma_wait3A_159 = arith.constant 0 : i32
        %dma_wait3A_160 = tpu.memref_slice %arg20[%dma_wait3A_158, %dma_wait3A_159] : memref<10240x32xf32, #tpu.memory_space<vmem_shared>> -> memref<10240x32xf32, #tpu.memory_space<vmem_shared>>
        tpu.wait_indirect_dma semaphore(%arg14 : memref<!tpu.dma_semaphore, #tpu.memory_space<semaphore_mem>>) src(%dma_wait3A_160 : memref<10240x32xf32, #tpu.memory_space<vmem_shared>>) dst(%arg10 : memref<128x32xf32, #tpu.memory_space<vmem>>)
        %dma_start3A_161 = arith.constant 0 : i32
        %dma_start3A_162 = tpu.memref_slice %arg7[%add3A_113, %dma_start3A_161] : memref<157x128xi32, #tpu.memory_space<vmem>> -> memref<1x128xi32, #tpu.memory_space<vmem>>
        %dma_start3A_163 = tpu.memref_squeeze %dma_start3A_162 : memref<1x128xi32, #tpu.memory_space<vmem>> -> memref<128xi32, #tpu.memory_space<vmem>>
        %dma_start3A_164 = arith.constant 0 : i32
        %dma_start3A_165 = arith.constant 0 : i32
        %dma_start3A_166 = tpu.memref_slice %arg21[%dma_start3A_164, %dma_start3A_165] : memref<10240x32xf32, #tpu.memory_space<vmem_shared>> -> memref<10240x32xf32, #tpu.memory_space<vmem_shared>>
        tpu.enqueue_indirect_dma source(%arg10 : memref<128x32xf32, #tpu.memory_space<vmem>>) target(%dma_start3A_166 : memref<10240x32xf32, #tpu.memory_space<vmem_shared>>) offsets(%dma_start3A_163 : memref<128xi32, #tpu.memory_space<vmem>>) semaphore(%arg18 : memref<!tpu.dma_semaphore, #tpu.memory_space<semaphore_mem>>) {add = true}
      } else {
      }
      %ge3A_118 = arith.constant 2 : i32
      %ge3A_119 = arith.cmpi sge, %add3A_113, %ge3A_118 : i32
      %add3A_120 = arith.constant 2 : i32
      %add3A_121 = arith.addi %sub3A_44, %add3A_120 : i32
      %lt3A_122 = arith.cmpi slt, %add3A_113, %add3A_121 : i32
      %and3A_123 = arith.andi %ge3A_119, %lt3A_122 : i1
      %convert_element_type3A_124 = arith.extui %and3A_123 : i1 to i32
      %cond3A_125 = arith.constant 0 : i32
      %cond3A_126 = arith.cmpi ne, %convert_element_type3A_124, %cond3A_125 : i32
      scf.if %cond3A_126 {
        %sub3A_156 = arith.constant 2 : i32
        %sub3A_157 = arith.subi %add3A_113, %sub3A_156 : i32
        %dma_wait3A = arith.constant 0 : i32
        %dma_wait3A_158 = tpu.memref_slice %arg7[%sub3A_157, %dma_wait3A] : memref<157x128xi32, #tpu.memory_space<vmem>> -> memref<1x128xi32, #tpu.memory_space<vmem>>
        %dma_wait3A_159 = tpu.memref_squeeze %dma_wait3A_158 : memref<1x128xi32, #tpu.memory_space<vmem>> -> memref<128xi32, #tpu.memory_space<vmem>>
        %dma_wait3A_160 = arith.constant 0 : i32
        %dma_wait3A_161 = arith.constant 0 : i32
        %dma_wait3A_162 = tpu.memref_slice %arg21[%dma_wait3A_160, %dma_wait3A_161] : memref<10240x32xf32, #tpu.memory_space<vmem_shared>> -> memref<10240x32xf32, #tpu.memory_space<vmem_shared>>
        tpu.wait_indirect_dma semaphore(%arg16 : memref<!tpu.dma_semaphore, #tpu.memory_space<semaphore_mem>>) src(%arg8 : memref<128x32xf32, #tpu.memory_space<vmem>>) dst(%dma_wait3A_162 : memref<10240x32xf32, #tpu.memory_space<vmem_shared>>)
      } else {
      }
      %add3A_127 = arith.constant 2 : i32
      %add3A_128 = arith.addi %add3A_113, %add3A_127 : i32
      %lt3A_129 = arith.cmpi slt, %add3A_128, %sub3A_44 : i32
      %convert_element_type3A_130 = arith.extui %lt3A_129 : i1 to i32
      %cond3A_131 = arith.constant 0 : i32
      %cond3A_132 = arith.cmpi ne, %convert_element_type3A_130, %cond3A_131 : i32
      scf.if %cond3A_132 {
        %add3A_156 = arith.constant 2 : i32
        %add3A_157 = arith.addi %add3A_113, %add3A_156 : i32
        %dma_start3A_158 = arith.constant 0 : i32
        %dma_start3A_159 = tpu.memref_slice %arg6[%add3A_157, %dma_start3A_158] : memref<157x128xi32, #tpu.memory_space<vmem>> -> memref<1x128xi32, #tpu.memory_space<vmem>>
        %dma_start3A_160 = tpu.memref_squeeze %dma_start3A_159 : memref<1x128xi32, #tpu.memory_space<vmem>> -> memref<128xi32, #tpu.memory_space<vmem>>
        %dma_start3A_161 = arith.constant 0 : i32
        %dma_start3A_162 = arith.constant 0 : i32
        %dma_start3A_163 = tpu.memref_slice %arg20[%dma_start3A_161, %dma_start3A_162] : memref<10240x32xf32, #tpu.memory_space<vmem_shared>> -> memref<10240x32xf32, #tpu.memory_space<vmem_shared>>
        tpu.enqueue_indirect_dma source(%dma_start3A_163 : memref<10240x32xf32, #tpu.memory_space<vmem_shared>>) target(%arg8 : memref<128x32xf32, #tpu.memory_space<vmem>>) offsets(%dma_start3A_160 : memref<128xi32, #tpu.memory_space<vmem>>) semaphore(%arg12 : memref<!tpu.dma_semaphore, #tpu.memory_space<semaphore_mem>>)
      } else {
      }
      %mul3A_133 = arith.constant 4 : i32
      %mul3A_134 = arith.muli %scan3A_67, %mul3A_133 : i32
      %add3A_135 = arith.constant 3 : i32
      %add3A_136 = arith.addi %mul3A_134, %add3A_135 : i32
      %lt3A_137 = arith.cmpi slt, %add3A_136, %sub3A_44 : i32
      %convert_element_type3A_138 = arith.extui %lt3A_137 : i1 to i32
      %cond3A_139 = arith.constant 0 : i32
      %cond3A_140 = arith.cmpi ne, %convert_element_type3A_138, %cond3A_139 : i32
      scf.if %cond3A_140 {
        %dma_wait3A = arith.constant 0 : i32
        %dma_wait3A_156 = tpu.memref_slice %arg6[%add3A_136, %dma_wait3A] : memref<157x128xi32, #tpu.memory_space<vmem>> -> memref<1x128xi32, #tpu.memory_space<vmem>>
        %dma_wait3A_157 = tpu.memref_squeeze %dma_wait3A_156 : memref<1x128xi32, #tpu.memory_space<vmem>> -> memref<128xi32, #tpu.memory_space<vmem>>
        %dma_wait3A_158 = arith.constant 0 : i32
        %dma_wait3A_159 = arith.constant 0 : i32
        %dma_wait3A_160 = tpu.memref_slice %arg20[%dma_wait3A_158, %dma_wait3A_159] : memref<10240x32xf32, #tpu.memory_space<vmem_shared>> -> memref<10240x32xf32, #tpu.memory_space<vmem_shared>>
        tpu.wait_indirect_dma semaphore(%arg15 : memref<!tpu.dma_semaphore, #tpu.memory_space<semaphore_mem>>) src(%dma_wait3A_160 : memref<10240x32xf32, #tpu.memory_space<vmem_shared>>) dst(%arg11 : memref<128x32xf32, #tpu.memory_space<vmem>>)
        %dma_start3A_161 = arith.constant 0 : i32
        %dma_start3A_162 = tpu.memref_slice %arg7[%add3A_136, %dma_start3A_161] : memref<157x128xi32, #tpu.memory_space<vmem>> -> memref<1x128xi32, #tpu.memory_space<vmem>>
        %dma_start3A_163 = tpu.memref_squeeze %dma_start3A_162 : memref<1x128xi32, #tpu.memory_space<vmem>> -> memref<128xi32, #tpu.memory_space<vmem>>
        %dma_start3A_164 = arith.constant 0 : i32
        %dma_start3A_165 = arith.constant 0 : i32
        %dma_start3A_166 = tpu.memref_slice %arg21[%dma_start3A_164, %dma_start3A_165] : memref<10240x32xf32, #tpu.memory_space<vmem_shared>> -> memref<10240x32xf32, #tpu.memory_space<vmem_shared>>
        tpu.enqueue_indirect_dma source(%arg11 : memref<128x32xf32, #tpu.memory_space<vmem>>) target(%dma_start3A_166 : memref<10240x32xf32, #tpu.memory_space<vmem_shared>>) offsets(%dma_start3A_163 : memref<128xi32, #tpu.memory_space<vmem>>) semaphore(%arg19 : memref<!tpu.dma_semaphore, #tpu.memory_space<semaphore_mem>>) {add = true}
      } else {
      }
      %ge3A_141 = arith.constant 2 : i32
      %ge3A_142 = arith.cmpi sge, %add3A_136, %ge3A_141 : i32
      %add3A_143 = arith.constant 2 : i32
      %add3A_144 = arith.addi %sub3A_44, %add3A_143 : i32
      %lt3A_145 = arith.cmpi slt, %add3A_136, %add3A_144 : i32
      %and3A_146 = arith.andi %ge3A_142, %lt3A_145 : i1
      %convert_element_type3A_147 = arith.extui %and3A_146 : i1 to i32
      %cond3A_148 = arith.constant 0 : i32
      %cond3A_149 = arith.cmpi ne, %convert_element_type3A_147, %cond3A_148 : i32
      scf.if %cond3A_149 {
        %sub3A_156 = arith.constant 2 : i32
        %sub3A_157 = arith.subi %add3A_136, %sub3A_156 : i32
        %dma_wait3A = arith.constant 0 : i32
        %dma_wait3A_158 = tpu.memref_slice %arg7[%sub3A_157, %dma_wait3A] : memref<157x128xi32, #tpu.memory_space<vmem>> -> memref<1x128xi32, #tpu.memory_space<vmem>>
        %dma_wait3A_159 = tpu.memref_squeeze %dma_wait3A_158 : memref<1x128xi32, #tpu.memory_space<vmem>> -> memref<128xi32, #tpu.memory_space<vmem>>
        %dma_wait3A_160 = arith.constant 0 : i32
        %dma_wait3A_161 = arith.constant 0 : i32
        %dma_wait3A_162 = tpu.memref_slice %arg21[%dma_wait3A_160, %dma_wait3A_161] : memref<10240x32xf32, #tpu.memory_space<vmem_shared>> -> memref<10240x32xf32, #tpu.memory_space<vmem_shared>>
        tpu.wait_indirect_dma semaphore(%arg17 : memref<!tpu.dma_semaphore, #tpu.memory_space<semaphore_mem>>) src(%arg9 : memref<128x32xf32, #tpu.memory_space<vmem>>) dst(%dma_wait3A_162 : memref<10240x32xf32, #tpu.memory_space<vmem_shared>>)
      } else {
      }
      %add3A_150 = arith.constant 2 : i32
      %add3A_151 = arith.addi %add3A_136, %add3A_150 : i32
      %lt3A_152 = arith.cmpi slt, %add3A_151, %sub3A_44 : i32
      %convert_element_type3A_153 = arith.extui %lt3A_152 : i1 to i32
      %cond3A_154 = arith.constant 0 : i32
      %cond3A_155 = arith.cmpi ne, %convert_element_type3A_153, %cond3A_154 : i32
      scf.if %cond3A_155 {
        %add3A_156 = arith.constant 2 : i32
        %add3A_157 = arith.addi %add3A_136, %add3A_156 : i32
        %dma_start3A_158 = arith.constant 0 : i32
        %dma_start3A_159 = tpu.memref_slice %arg6[%add3A_157, %dma_start3A_158] : memref<157x128xi32, #tpu.memory_space<vmem>> -> memref<1x128xi32, #tpu.memory_space<vmem>>
        %dma_start3A_160 = tpu.memref_squeeze %dma_start3A_159 : memref<1x128xi32, #tpu.memory_space<vmem>> -> memref<128xi32, #tpu.memory_space<vmem>>
        %dma_start3A_161 = arith.constant 0 : i32
        %dma_start3A_162 = arith.constant 0 : i32
        %dma_start3A_163 = tpu.memref_slice %arg20[%dma_start3A_161, %dma_start3A_162] : memref<10240x32xf32, #tpu.memory_space<vmem_shared>> -> memref<10240x32xf32, #tpu.memory_space<vmem_shared>>
        tpu.enqueue_indirect_dma source(%dma_start3A_163 : memref<10240x32xf32, #tpu.memory_space<vmem_shared>>) target(%arg9 : memref<128x32xf32, #tpu.memory_space<vmem>>) offsets(%dma_start3A_160 : memref<128xi32, #tpu.memory_space<vmem>>) semaphore(%arg13 : memref<!tpu.dma_semaphore, #tpu.memory_space<semaphore_mem>>)
      } else {
      }
    }
    %scan3A_65 = arith.constant 40 : i32
    %barrier3A_66 = arith.constant 0 : index
    tpu.barrier barrier_id(%barrier3A_66)
    "tpu.region"() ({
      %run_scoped3A = tpu.sem_alloc : memref<!tpu.dma_semaphore, #tpu.memory_space<semaphore_mem>>
      %dma_start3A_67 = tpu.memref_slice %arg5[%mul3A_46, %mul3A_48] : memref<10240x64xf32, #tpu.memory_space<hbm>> -> memref<640x32xf32, #tpu.memory_space<hbm>>
      %dma_start3A_68 = arith.constant 0 : i32
      %dma_start3A_69 = tpu.memref_slice %arg21[%mul3A_46, %dma_start3A_68] : memref<10240x32xf32, #tpu.memory_space<vmem_shared>> -> memref<640x32xf32, #tpu.memory_space<vmem_shared>>
      tpu.enqueue_dma source(%dma_start3A_69 : memref<640x32xf32, #tpu.memory_space<vmem_shared>>) target(%dma_start3A_67 : memref<640x32xf32, #tpu.memory_space<hbm>>) target_semaphore(%run_scoped3A : memref<!tpu.dma_semaphore, #tpu.memory_space<semaphore_mem>>)
      %dma_wait3A = tpu.memref_slice %arg5[%mul3A_46, %mul3A_48] : memref<10240x64xf32, #tpu.memory_space<hbm>> -> memref<640x32xf32, #tpu.memory_space<hbm>>
      %dma_wait3A_70 = arith.constant 0 : i32
      %dma_wait3A_71 = tpu.memref_slice %arg21[%mul3A_46, %dma_wait3A_70] : memref<10240x32xf32, #tpu.memory_space<vmem_shared>> -> memref<640x32xf32, #tpu.memory_space<vmem_shared>>
      tpu.wait_dma2 semaphore(%run_scoped3A : memref<!tpu.dma_semaphore, #tpu.memory_space<semaphore_mem>>) src(%dma_wait3A_71 : memref<640x32xf32, #tpu.memory_space<vmem_shared>>) dst(%dma_wait3A : memref<640x32xf32, #tpu.memory_space<hbm>>)
      tpu.yield
    }) : () -> ()
    return
  }
}

#map = affine_map<(d0, d1) -> (0, 0)>
module attributes {stable_mosaic.version = 14 : i64} {
  func.func @deg_kernel(%arg0: i32, %arg1: i32, %arg2: memref<2500x128xi32, #tpu.memory_space<hbm>>, %arg3: memref<2x10240xf32, #tpu.memory_space<hbm>>, %arg4: memref<79x128xi32, #tpu.memory_space<vmem>>, %arg5: memref<128xf32, #tpu.memory_space<vmem>>, %arg6: memref<640xf32, #tpu.memory_space<vmem>>, %arg7: memref<10240xf32, #tpu.memory_space<vmem_shared>>, %arg8: memref<!tpu.dma_semaphore, #tpu.memory_space<semaphore_mem>>) attributes {dimension_semantics = [#tpu.dimension_semantics<core_parallel>, #tpu.dimension_semantics<subcore_parallel>], iteration_bounds = array<i64: 2, 16>, scalar_prefetch = 0 : i64, scratch_operands = 5 : i64, tpu.core_type = #tpu.core_type<sc_vector_subcore>, window_params = [{transform_indices = #map}, {transform_indices = #map}]} {
    %mul3A = arith.constant 16 : i32
    %mul3A_0 = arith.muli %arg0, %mul3A : i32
    %add3A = arith.addi %mul3A_0, %arg1 : i32
    %mul3A_1 = arith.constant 2500 : i32
    %mul3A_2 = arith.muli %mul3A_1, %add3A : i32
    %jit3A = arith.constant 32 : i32
    %div3A = arith.divsi %mul3A_2, %jit3A : i32
    %sign3A = arith.constant 0 : i32
    %sign3A_3 = arith.cmpi sgt, %mul3A_2, %sign3A : i32
    %sign3A_4 = arith.extui %sign3A_3 : i1 to i32
    %sign3A_5 = arith.constant 0 : i32
    %sign3A_6 = arith.cmpi slt, %mul3A_2, %sign3A_5 : i32
    %sign3A_7 = arith.extui %sign3A_6 : i1 to i32
    %sign3A_8 = arith.subi %sign3A_4, %sign3A_7 : i32
    %sign3A_9 = arith.constant 0 : i32
    %sign3A_10 = arith.cmpi sgt, %jit3A, %sign3A_9 : i32
    %sign3A_11 = arith.extui %sign3A_10 : i1 to i32
    %sign3A_12 = arith.constant 0 : i32
    %sign3A_13 = arith.cmpi slt, %jit3A, %sign3A_12 : i32
    %sign3A_14 = arith.extui %sign3A_13 : i1 to i32
    %sign3A_15 = arith.subi %sign3A_11, %sign3A_14 : i32
    %ne3A = arith.cmpi ne, %sign3A_8, %sign3A_15 : i32
    %rem3A = arith.remsi %mul3A_2, %jit3A : i32
    %ne3A_16 = arith.constant 0 : i32
    %ne3A_17 = arith.cmpi ne, %rem3A, %ne3A_16 : i32
    %and3A = arith.andi %ne3A, %ne3A_17 : i1
    %sub3A = arith.constant 1 : i32
    %sub3A_18 = arith.subi %div3A, %sub3A : i32
    %select_n3A = arith.select %and3A, %sub3A_18, %div3A : i32
    %add3A_19 = arith.constant 1 : i32
    %add3A_20 = arith.addi %add3A, %add3A_19 : i32
    %mul3A_21 = arith.constant 2500 : i32
    %mul3A_22 = arith.muli %mul3A_21, %add3A_20 : i32
    %jit3A_23 = arith.constant 32 : i32
    %div3A_24 = arith.divsi %mul3A_22, %jit3A_23 : i32
    %sign3A_25 = arith.constant 0 : i32
    %sign3A_26 = arith.cmpi sgt, %mul3A_22, %sign3A_25 : i32
    %sign3A_27 = arith.extui %sign3A_26 : i1 to i32
    %sign3A_28 = arith.constant 0 : i32
    %sign3A_29 = arith.cmpi slt, %mul3A_22, %sign3A_28 : i32
    %sign3A_30 = arith.extui %sign3A_29 : i1 to i32
    %sign3A_31 = arith.subi %sign3A_27, %sign3A_30 : i32
    %sign3A_32 = arith.constant 0 : i32
    %sign3A_33 = arith.cmpi sgt, %jit3A_23, %sign3A_32 : i32
    %sign3A_34 = arith.extui %sign3A_33 : i1 to i32
    %sign3A_35 = arith.constant 0 : i32
    %sign3A_36 = arith.cmpi slt, %jit3A_23, %sign3A_35 : i32
    %sign3A_37 = arith.extui %sign3A_36 : i1 to i32
    %sign3A_38 = arith.subi %sign3A_34, %sign3A_37 : i32
    %ne3A_39 = arith.cmpi ne, %sign3A_31, %sign3A_38 : i32
    %rem3A_40 = arith.remsi %mul3A_22, %jit3A_23 : i32
    %ne3A_41 = arith.constant 0 : i32
    %ne3A_42 = arith.cmpi ne, %rem3A_40, %ne3A_41 : i32
    %and3A_43 = arith.andi %ne3A_39, %ne3A_42 : i1
    %sub3A_44 = arith.constant 1 : i32
    %sub3A_45 = arith.subi %div3A_24, %sub3A_44 : i32
    %select_n3A_46 = arith.select %and3A_43, %sub3A_45, %div3A_24 : i32
    %sub3A_47 = arith.subi %select_n3A_46, %select_n3A : i32
    %scan3A = arith.constant 0 : i32
    %scan3A_48 = arith.constant 40 : i32
    %scan3A_49 = arith.addi %scan3A, %scan3A_48 : i32
    %scan3A_50 = arith.constant 1 : i32
    scf.for %scan3A_81 = %scan3A to %scan3A_49 step %scan3A_50  : i32 {
      %broadcast_in_dim3A = arith.constant 0.000000e+00 : f32
      %broadcast_in_dim3A_82 = vector.broadcast %broadcast_in_dim3A : f32 to vector<16xf32>
      %mul3A_83 = arith.constant 16 : i32
      %mul3A_84 = arith.muli %scan3A_81, %mul3A_83 : i32
      %swap3A = arith.index_cast %mul3A_84 : i32 to index
      %swap3A_85 = tpu.vector_load %arg6[%swap3A] {strides = array<i32>} : memref<640xf32, #tpu.memory_space<vmem>>, vector<16xf32>,
      %swap3A_86 = vector.shape_cast %swap3A_85 : vector<16xf32> to vector<16xf32>
      %swap3A_87 = vector.shape_cast %broadcast_in_dim3A_82 : vector<16xf32> to vector<16xf32>
      tpu.vector_store %arg6[%swap3A], %swap3A_87 {strides = array<i32>} : memref<640xf32, #tpu.memory_space<vmem>>, vector<16xf32>,
    }
    %scan3A_51 = arith.constant 40 : i32
    %mul3A_52 = arith.constant 640 : i32
    %mul3A_53 = arith.muli %arg1, %mul3A_52 : i32
    "tpu.region"() ({
      %run_scoped3A = tpu.sem_alloc : memref<!tpu.dma_semaphore, #tpu.memory_space<semaphore_mem>>
      %dma_start3A = tpu.memref_slice %arg7[%mul3A_53] : memref<10240xf32, #tpu.memory_space<vmem_shared>> -> memref<640xf32, #tpu.memory_space<vmem_shared>>
      %dma_start3A_81 = tpu.memref_slice %arg7[%mul3A_53] : memref<10240xf32, #tpu.memory_space<vmem_shared>> -> memref<640xf32, #tpu.memory_space<vmem_shared>>
      tpu.enqueue_dma source(%arg6 : memref<640xf32, #tpu.memory_space<vmem>>) target(%dma_start3A_81 : memref<640xf32, #tpu.memory_space<vmem_shared>>) target_semaphore(%run_scoped3A : memref<!tpu.dma_semaphore, #tpu.memory_space<semaphore_mem>>)
      %dma_wait3A = tpu.memref_slice %arg7[%mul3A_53] : memref<10240xf32, #tpu.memory_space<vmem_shared>> -> memref<640xf32, #tpu.memory_space<vmem_shared>>
      %dma_wait3A_82 = tpu.memref_slice %arg7[%mul3A_53] : memref<10240xf32, #tpu.memory_space<vmem_shared>> -> memref<640xf32, #tpu.memory_space<vmem_shared>>
      tpu.wait_dma2 semaphore(%run_scoped3A : memref<!tpu.dma_semaphore, #tpu.memory_space<semaphore_mem>>) src(%arg6 : memref<640xf32, #tpu.memory_space<vmem>>) dst(%dma_wait3A_82 : memref<640xf32, #tpu.memory_space<vmem_shared>>)
      tpu.yield
    }) : () -> ()
    %scan3A_54 = arith.constant 0 : i32
    %scan3A_55 = arith.constant 8 : i32
    %scan3A_56 = arith.addi %scan3A_54, %scan3A_55 : i32
    %scan3A_57 = arith.constant 1 : i32
    scf.for %scan3A_81 = %scan3A_54 to %scan3A_56 step %scan3A_57  : i32 {
      %broadcast_in_dim3A = arith.constant 1.000000e+00 : f32
      %broadcast_in_dim3A_82 = vector.broadcast %broadcast_in_dim3A : f32 to vector<16xf32>
      %mul3A_83 = arith.constant 16 : i32
      %mul3A_84 = arith.muli %scan3A_81, %mul3A_83 : i32
      %swap3A = arith.index_cast %mul3A_84 : i32 to index
      %swap3A_85 = tpu.vector_load %arg5[%swap3A] {strides = array<i32>} : memref<128xf32, #tpu.memory_space<vmem>>, vector<16xf32>,
      %swap3A_86 = vector.shape_cast %swap3A_85 : vector<16xf32> to vector<16xf32>
      %swap3A_87 = vector.shape_cast %broadcast_in_dim3A_82 : vector<16xf32> to vector<16xf32>
      tpu.vector_store %arg5[%swap3A], %swap3A_87 {strides = array<i32>} : memref<128xf32, #tpu.memory_space<vmem>>, vector<16xf32>,
    }
    %scan3A_58 = arith.constant 8 : i32
    "tpu.region"() ({
      %run_scoped3A = tpu.sem_alloc : memref<!tpu.dma_semaphore, #tpu.memory_space<semaphore_mem>>
      %dma_start3A = arith.constant 0 : i32
      %dma_start3A_81 = tpu.memref_slice %arg2[%select_n3A, %dma_start3A] : memref<2500x128xi32, #tpu.memory_space<hbm>> -> memref<79x128xi32, #tpu.memory_space<hbm>>
      %dma_start3A_82 = arith.constant 0 : i32
      %dma_start3A_83 = tpu.memref_slice %arg2[%select_n3A, %dma_start3A_82] : memref<2500x128xi32, #tpu.memory_space<hbm>> -> memref<79x128xi32, #tpu.memory_space<hbm>>
      tpu.enqueue_dma source(%dma_start3A_83 : memref<79x128xi32, #tpu.memory_space<hbm>>) target(%arg4 : memref<79x128xi32, #tpu.memory_space<vmem>>) target_semaphore(%run_scoped3A : memref<!tpu.dma_semaphore, #tpu.memory_space<semaphore_mem>>)
      %dma_wait3A = arith.constant 0 : i32
      %dma_wait3A_84 = tpu.memref_slice %arg2[%select_n3A, %dma_wait3A] : memref<2500x128xi32, #tpu.memory_space<hbm>> -> memref<79x128xi32, #tpu.memory_space<hbm>>
      %dma_wait3A_85 = arith.constant 0 : i32
      %dma_wait3A_86 = tpu.memref_slice %arg2[%select_n3A, %dma_wait3A_85] : memref<2500x128xi32, #tpu.memory_space<hbm>> -> memref<79x128xi32, #tpu.memory_space<hbm>>
      tpu.wait_dma2 semaphore(%run_scoped3A : memref<!tpu.dma_semaphore, #tpu.memory_space<semaphore_mem>>) src(%dma_wait3A_86 : memref<79x128xi32, #tpu.memory_space<hbm>>) dst(%arg4 : memref<79x128xi32, #tpu.memory_space<vmem>>)
      tpu.yield
    }) : () -> ()
    %barrier3A = arith.constant 0 : index
    tpu.barrier barrier_id(%barrier3A)
    %while3A = arith.constant 0 : i32
    %while3A_59 = arith.subi %sub3A_47, %while3A : i32
    %while3A_60 = arith.addi %while3A, %while3A_59 : i32
    %while3A_61 = arith.constant 1 : i32
    %while3A_62 = arith.divsi %while3A_59, %while3A_61 : i32
    %while3A_63 = arith.muli %while3A_62, %while3A_61 : i32
    %while3A_64 = arith.addi %while3A, %while3A_63 : i32
    %while3A_65 = arith.constant 1 : i32
    scf.for %while3A_81 = %while3A to %while3A_64 step %while3A_65  : i32 {
      %dma_start3A = arith.constant 0 : i32
      %dma_start3A_82 = tpu.memref_slice %arg4[%while3A_81, %dma_start3A] : memref<79x128xi32, #tpu.memory_space<vmem>> -> memref<1x128xi32, #tpu.memory_space<vmem>>
      %dma_start3A_83 = tpu.memref_squeeze %dma_start3A_82 : memref<1x128xi32, #tpu.memory_space<vmem>> -> memref<128xi32, #tpu.memory_space<vmem>>
      %dma_start3A_84 = arith.constant 0 : i32
      %dma_start3A_85 = tpu.memref_slice %arg7[%dma_start3A_84] : memref<10240xf32, #tpu.memory_space<vmem_shared>> -> memref<10240xf32, #tpu.memory_space<vmem_shared>>
      tpu.enqueue_indirect_dma source(%arg5 : memref<128xf32, #tpu.memory_space<vmem>>) target(%dma_start3A_85 : memref<10240xf32, #tpu.memory_space<vmem_shared>>) offsets(%dma_start3A_83 : memref<128xi32, #tpu.memory_space<vmem>>) semaphore(%arg8 : memref<!tpu.dma_semaphore, #tpu.memory_space<semaphore_mem>>) {add = true}
    }
    %while3A_66 = arith.constant 1 : i32
    scf.for %while3A_81 = %while3A_64 to %while3A_60 step %while3A_66  : i32 {
      %dma_start3A = arith.constant 0 : i32
      %dma_start3A_82 = tpu.memref_slice %arg4[%while3A_81, %dma_start3A] : memref<79x128xi32, #tpu.memory_space<vmem>> -> memref<1x128xi32, #tpu.memory_space<vmem>>
      %dma_start3A_83 = tpu.memref_squeeze %dma_start3A_82 : memref<1x128xi32, #tpu.memory_space<vmem>> -> memref<128xi32, #tpu.memory_space<vmem>>
      %dma_start3A_84 = arith.constant 0 : i32
      %dma_start3A_85 = tpu.memref_slice %arg7[%dma_start3A_84] : memref<10240xf32, #tpu.memory_space<vmem_shared>> -> memref<10240xf32, #tpu.memory_space<vmem_shared>>
      tpu.enqueue_indirect_dma source(%arg5 : memref<128xf32, #tpu.memory_space<vmem>>) target(%dma_start3A_85 : memref<10240xf32, #tpu.memory_space<vmem_shared>>) offsets(%dma_start3A_83 : memref<128xi32, #tpu.memory_space<vmem>>) semaphore(%arg8 : memref<!tpu.dma_semaphore, #tpu.memory_space<semaphore_mem>>) {add = true}
    }
    %while3A_67 = arith.constant 0 : i32
    %while3A_68 = arith.subi %sub3A_47, %while3A_67 : i32
    %while3A_69 = arith.addi %while3A_67, %while3A_68 : i32
    %while3A_70 = arith.constant 1 : i32
    %while3A_71 = arith.divsi %while3A_68, %while3A_70 : i32
    %while3A_72 = arith.muli %while3A_71, %while3A_70 : i32
    %while3A_73 = arith.addi %while3A_67, %while3A_72 : i32
    %while3A_74 = arith.constant 1 : i32
    scf.for %while3A_81 = %while3A_67 to %while3A_73 step %while3A_74  : i32 {
      %dma_wait3A = arith.constant 0 : i32
      %dma_wait3A_82 = arith.constant 0 : i32
      %dma_wait3A_83 = tpu.memref_slice %arg4[%dma_wait3A, %dma_wait3A_82] : memref<79x128xi32, #tpu.memory_space<vmem>> -> memref<1x128xi32, #tpu.memory_space<vmem>>
      %dma_wait3A_84 = tpu.memref_squeeze %dma_wait3A_83 : memref<1x128xi32, #tpu.memory_space<vmem>> -> memref<128xi32, #tpu.memory_space<vmem>>
      %dma_wait3A_85 = arith.constant 0 : i32
      %dma_wait3A_86 = tpu.memref_slice %arg7[%dma_wait3A_85] : memref<10240xf32, #tpu.memory_space<vmem_shared>> -> memref<10240xf32, #tpu.memory_space<vmem_shared>>
      tpu.wait_indirect_dma semaphore(%arg8 : memref<!tpu.dma_semaphore, #tpu.memory_space<semaphore_mem>>) src(%arg5 : memref<128xf32, #tpu.memory_space<vmem>>) dst(%dma_wait3A_86 : memref<10240xf32, #tpu.memory_space<vmem_shared>>)
    }
    %while3A_75 = arith.constant 1 : i32
    scf.for %while3A_81 = %while3A_73 to %while3A_69 step %while3A_75  : i32 {
      %dma_wait3A = arith.constant 0 : i32
      %dma_wait3A_82 = arith.constant 0 : i32
      %dma_wait3A_83 = tpu.memref_slice %arg4[%dma_wait3A, %dma_wait3A_82] : memref<79x128xi32, #tpu.memory_space<vmem>> -> memref<1x128xi32, #tpu.memory_space<vmem>>
      %dma_wait3A_84 = tpu.memref_squeeze %dma_wait3A_83 : memref<1x128xi32, #tpu.memory_space<vmem>> -> memref<128xi32, #tpu.memory_space<vmem>>
      %dma_wait3A_85 = arith.constant 0 : i32
      %dma_wait3A_86 = tpu.memref_slice %arg7[%dma_wait3A_85] : memref<10240xf32, #tpu.memory_space<vmem_shared>> -> memref<10240xf32, #tpu.memory_space<vmem_shared>>
      tpu.wait_indirect_dma semaphore(%arg8 : memref<!tpu.dma_semaphore, #tpu.memory_space<semaphore_mem>>) src(%arg5 : memref<128xf32, #tpu.memory_space<vmem>>) dst(%dma_wait3A_86 : memref<10240xf32, #tpu.memory_space<vmem_shared>>)
    }
    %barrier3A_76 = arith.constant 0 : index
    tpu.barrier barrier_id(%barrier3A_76)
    %mul3A_77 = arith.constant 640 : i32
    %mul3A_78 = arith.muli %arg1, %mul3A_77 : i32
    %mul3A_79 = arith.constant 640 : i32
    %mul3A_80 = arith.muli %arg1, %mul3A_79 : i32
    "tpu.region"() ({
      %run_scoped3A = tpu.sem_alloc : memref<!tpu.dma_semaphore, #tpu.memory_space<semaphore_mem>>
      %dma_start3A = tpu.memref_slice %arg3[%arg0, %mul3A_80] : memref<2x10240xf32, #tpu.memory_space<hbm>> -> memref<1x640xf32, #tpu.memory_space<hbm>>
      %dma_start3A_81 = tpu.memref_squeeze %dma_start3A : memref<1x640xf32, #tpu.memory_space<hbm>> -> memref<640xf32, #tpu.memory_space<hbm>>
      %dma_start3A_82 = tpu.memref_slice %arg7[%mul3A_78] : memref<10240xf32, #tpu.memory_space<vmem_shared>> -> memref<640xf32, #tpu.memory_space<vmem_shared>>
      tpu.enqueue_dma source(%dma_start3A_82 : memref<640xf32, #tpu.memory_space<vmem_shared>>) target(%dma_start3A_81 : memref<640xf32, #tpu.memory_space<hbm>>) target_semaphore(%run_scoped3A : memref<!tpu.dma_semaphore, #tpu.memory_space<semaphore_mem>>)
      %dma_wait3A = tpu.memref_slice %arg3[%arg0, %mul3A_80] : memref<2x10240xf32, #tpu.memory_space<hbm>> -> memref<1x640xf32, #tpu.memory_space<hbm>>
      %dma_wait3A_83 = tpu.memref_squeeze %dma_wait3A : memref<1x640xf32, #tpu.memory_space<hbm>> -> memref<640xf32, #tpu.memory_space<hbm>>
      %dma_wait3A_84 = tpu.memref_slice %arg7[%mul3A_78] : memref<10240xf32, #tpu.memory_space<vmem_shared>> -> memref<640xf32, #tpu.memory_space<vmem_shared>>
      tpu.wait_dma2 semaphore(%run_scoped3A : memref<!tpu.dma_semaphore, #tpu.memory_space<semaphore_mem>>) src(%dma_wait3A_84 : memref<640xf32, #tpu.memory_space<vmem_shared>>) dst(%dma_wait3A_83 : memref<640xf32, #tpu.memory_space<hbm>>)
      tpu.yield
    }) : () -> ()
    return
  }
}

#map = affine_map<(d0, d1) -> (0, 0)>
module attributes {stable_mosaic.version = 14 : i64} {
  func.func @agg_kernel(%arg0: i32, %arg1: i32, %arg2: memref<10240x64xf32, #tpu.memory_space<hbm>>, %arg3: memref<2500x128xi32, #tpu.memory_space<hbm>>, %arg4: memref<2500x128xi32, #tpu.memory_space<hbm>>, %arg5: memref<10240x64xf32, #tpu.memory_space<hbm>>, %arg6: memref<157x128xi32, #tpu.memory_space<vmem>>, %arg7: memref<157x128xi32, #tpu.memory_space<vmem>>, %arg8: memref<128x32xf32, #tpu.memory_space<vmem>>, %arg9: memref<128x32xf32, #tpu.memory_space<vmem>>, %arg10: memref<128x32xf32, #tpu.memory_space<vmem>>, %arg11: memref<128x32xf32, #tpu.memory_space<vmem>>, %arg12: memref<!tpu.dma_semaphore, #tpu.memory_space<semaphore_mem>>, %arg13: memref<!tpu.dma_semaphore, #tpu.memory_space<semaphore_mem>>, %arg14: memref<!tpu.dma_semaphore, #tpu.memory_space<semaphore_mem>>, %arg15: memref<!tpu.dma_semaphore, #tpu.memory_space<semaphore_mem>>, %arg16: memref<!tpu.dma_semaphore, #tpu.memory_space<semaphore_mem>>, %arg17: memref<!tpu.dma_semaphore, #tpu.memory_space<semaphore_mem>>, %arg18: memref<!tpu.dma_semaphore, #tpu.memory_space<semaphore_mem>>, %arg19: memref<!tpu.dma_semaphore, #tpu.memory_space<semaphore_mem>>, %arg20: memref<10240x32xf32, #tpu.memory_space<vmem_shared>>, %arg21: memref<10240x32xf32, #tpu.memory_space<vmem_shared>>) attributes {dimension_semantics = [#tpu.dimension_semantics<core_parallel>, #tpu.dimension_semantics<subcore_parallel>], iteration_bounds = array<i64: 2, 16>, scalar_prefetch = 0 : i64, scratch_operands = 16 : i64, tpu.core_type = #tpu.core_type<sc_vector_subcore>, window_params = [{transform_indices = #map}, {transform_indices = #map}, {transform_indices = #map}, {transform_indices = #map}]} {
    %mul3A = arith.constant 2500 : i32
    %mul3A_0 = arith.muli %mul3A, %arg1 : i32
    %jit3A = arith.constant 16 : i32
    %div3A = arith.divsi %mul3A_0, %jit3A : i32
    %sign3A = arith.constant 0 : i32
    %sign3A_1 = arith.cmpi sgt, %mul3A_0, %sign3A : i32
    %sign3A_2 = arith.extui %sign3A_1 : i1 to i32
    %sign3A_3 = arith.constant 0 : i32
    %sign3A_4 = arith.cmpi slt, %mul3A_0, %sign3A_3 : i32
    %sign3A_5 = arith.extui %sign3A_4 : i1 to i32
    %sign3A_6 = arith.subi %sign3A_2, %sign3A_5 : i32
    %sign3A_7 = arith.constant 0 : i32
    %sign3A_8 = arith.cmpi sgt, %jit3A, %sign3A_7 : i32
    %sign3A_9 = arith.extui %sign3A_8 : i1 to i32
    %sign3A_10 = arith.constant 0 : i32
    %sign3A_11 = arith.cmpi slt, %jit3A, %sign3A_10 : i32
    %sign3A_12 = arith.extui %sign3A_11 : i1 to i32
    %sign3A_13 = arith.subi %sign3A_9, %sign3A_12 : i32
    %ne3A = arith.cmpi ne, %sign3A_6, %sign3A_13 : i32
    %rem3A = arith.remsi %mul3A_0, %jit3A : i32
    %ne3A_14 = arith.constant 0 : i32
    %ne3A_15 = arith.cmpi ne, %rem3A, %ne3A_14 : i32
    %and3A = arith.andi %ne3A, %ne3A_15 : i1
    %sub3A = arith.constant 1 : i32
    %sub3A_16 = arith.subi %div3A, %sub3A : i32
    %select_n3A = arith.select %and3A, %sub3A_16, %div3A : i32
    %add3A = arith.constant 1 : i32
    %add3A_17 = arith.addi %arg1, %add3A : i32
    %mul3A_18 = arith.constant 2500 : i32
    %mul3A_19 = arith.muli %mul3A_18, %add3A_17 : i32
    %jit3A_20 = arith.constant 16 : i32
    %div3A_21 = arith.divsi %mul3A_19, %jit3A_20 : i32
    %sign3A_22 = arith.constant 0 : i32
    %sign3A_23 = arith.cmpi sgt, %mul3A_19, %sign3A_22 : i32
    %sign3A_24 = arith.extui %sign3A_23 : i1 to i32
    %sign3A_25 = arith.constant 0 : i32
    %sign3A_26 = arith.cmpi slt, %mul3A_19, %sign3A_25 : i32
    %sign3A_27 = arith.extui %sign3A_26 : i1 to i32
    %sign3A_28 = arith.subi %sign3A_24, %sign3A_27 : i32
    %sign3A_29 = arith.constant 0 : i32
    %sign3A_30 = arith.cmpi sgt, %jit3A_20, %sign3A_29 : i32
    %sign3A_31 = arith.extui %sign3A_30 : i1 to i32
    %sign3A_32 = arith.constant 0 : i32
    %sign3A_33 = arith.cmpi slt, %jit3A_20, %sign3A_32 : i32
    %sign3A_34 = arith.extui %sign3A_33 : i1 to i32
    %sign3A_35 = arith.subi %sign3A_31, %sign3A_34 : i32
    %ne3A_36 = arith.cmpi ne, %sign3A_28, %sign3A_35 : i32
    %rem3A_37 = arith.remsi %mul3A_19, %jit3A_20 : i32
    %ne3A_38 = arith.constant 0 : i32
    %ne3A_39 = arith.cmpi ne, %rem3A_37, %ne3A_38 : i32
    %and3A_40 = arith.andi %ne3A_36, %ne3A_39 : i1
    %sub3A_41 = arith.constant 1 : i32
    %sub3A_42 = arith.subi %div3A_21, %sub3A_41 : i32
    %select_n3A_43 = arith.select %and3A_40, %sub3A_42, %div3A_21 : i32
    %sub3A_44 = arith.subi %select_n3A_43, %select_n3A : i32
    %mul3A_45 = arith.constant 640 : i32
    %mul3A_46 = arith.muli %arg1, %mul3A_45 : i32
    %mul3A_47 = arith.constant 32 : i32
    %mul3A_48 = arith.muli %arg0, %mul3A_47 : i32
    "tpu.region"() ({
      %run_scoped3A = tpu.sem_alloc : memref<!tpu.dma_semaphore, #tpu.memory_space<semaphore_mem>>
      %dma_start3A_67 = arith.constant 0 : i32
      %dma_start3A_68 = tpu.memref_slice %arg20[%mul3A_46, %dma_start3A_67] : memref<10240x32xf32, #tpu.memory_space<vmem_shared>> -> memref<640x32xf32, #tpu.memory_space<vmem_shared>>
      %dma_start3A_69 = tpu.memref_slice %arg2[%mul3A_46, %mul3A_48] : memref<10240x64xf32, #tpu.memory_space<hbm>> -> memref<640x32xf32, #tpu.memory_space<hbm>>
      tpu.enqueue_dma source(%dma_start3A_69 : memref<640x32xf32, #tpu.memory_space<hbm>>) target(%dma_start3A_68 : memref<640x32xf32, #tpu.memory_space<vmem_shared>>) target_semaphore(%run_scoped3A : memref<!tpu.dma_semaphore, #tpu.memory_space<semaphore_mem>>)
      %dma_wait3A = arith.constant 0 : i32
      %dma_wait3A_70 = tpu.memref_slice %arg20[%mul3A_46, %dma_wait3A] : memref<10240x32xf32, #tpu.memory_space<vmem_shared>> -> memref<640x32xf32, #tpu.memory_space<vmem_shared>>
      %dma_wait3A_71 = tpu.memref_slice %arg2[%mul3A_46, %mul3A_48] : memref<10240x64xf32, #tpu.memory_space<hbm>> -> memref<640x32xf32, #tpu.memory_space<hbm>>
      tpu.wait_dma2 semaphore(%run_scoped3A : memref<!tpu.dma_semaphore, #tpu.memory_space<semaphore_mem>>) src(%dma_wait3A_71 : memref<640x32xf32, #tpu.memory_space<hbm>>) dst(%dma_wait3A_70 : memref<640x32xf32, #tpu.memory_space<vmem_shared>>)
      tpu.yield
    }) : () -> ()
    "tpu.region"() ({
      %run_scoped3A = tpu.sem_alloc : memref<!tpu.dma_semaphore, #tpu.memory_space<semaphore_mem>>
      %dma_start3A_67 = arith.constant 0 : i32
      %dma_start3A_68 = tpu.memref_slice %arg21[%mul3A_46, %dma_start3A_67] : memref<10240x32xf32, #tpu.memory_space<vmem_shared>> -> memref<640x32xf32, #tpu.memory_space<vmem_shared>>
      %dma_start3A_69 = tpu.memref_slice %arg2[%mul3A_46, %mul3A_48] : memref<10240x64xf32, #tpu.memory_space<hbm>> -> memref<640x32xf32, #tpu.memory_space<hbm>>
      tpu.enqueue_dma source(%dma_start3A_69 : memref<640x32xf32, #tpu.memory_space<hbm>>) target(%dma_start3A_68 : memref<640x32xf32, #tpu.memory_space<vmem_shared>>) target_semaphore(%run_scoped3A : memref<!tpu.dma_semaphore, #tpu.memory_space<semaphore_mem>>)
      %dma_wait3A = arith.constant 0 : i32
      %dma_wait3A_70 = tpu.memref_slice %arg21[%mul3A_46, %dma_wait3A] : memref<10240x32xf32, #tpu.memory_space<vmem_shared>> -> memref<640x32xf32, #tpu.memory_space<vmem_shared>>
      %dma_wait3A_71 = tpu.memref_slice %arg2[%mul3A_46, %mul3A_48] : memref<10240x64xf32, #tpu.memory_space<hbm>> -> memref<640x32xf32, #tpu.memory_space<hbm>>
      tpu.wait_dma2 semaphore(%run_scoped3A : memref<!tpu.dma_semaphore, #tpu.memory_space<semaphore_mem>>) src(%dma_wait3A_71 : memref<640x32xf32, #tpu.memory_space<hbm>>) dst(%dma_wait3A_70 : memref<640x32xf32, #tpu.memory_space<vmem_shared>>)
      tpu.yield
    }) : () -> ()
    "tpu.region"() ({
      %run_scoped3A = tpu.sem_alloc : memref<!tpu.dma_semaphore, #tpu.memory_space<semaphore_mem>>
      %dma_start3A_67 = arith.constant 0 : i32
      %dma_start3A_68 = tpu.memref_slice %arg3[%select_n3A, %dma_start3A_67] : memref<2500x128xi32, #tpu.memory_space<hbm>> -> memref<157x128xi32, #tpu.memory_space<hbm>>
      %dma_start3A_69 = arith.constant 0 : i32
      %dma_start3A_70 = tpu.memref_slice %arg3[%select_n3A, %dma_start3A_69] : memref<2500x128xi32, #tpu.memory_space<hbm>> -> memref<157x128xi32, #tpu.memory_space<hbm>>
      tpu.enqueue_dma source(%dma_start3A_70 : memref<157x128xi32, #tpu.memory_space<hbm>>) target(%arg6 : memref<157x128xi32, #tpu.memory_space<vmem>>) target_semaphore(%run_scoped3A : memref<!tpu.dma_semaphore, #tpu.memory_space<semaphore_mem>>)
      %dma_wait3A = arith.constant 0 : i32
      %dma_wait3A_71 = tpu.memref_slice %arg3[%select_n3A, %dma_wait3A] : memref<2500x128xi32, #tpu.memory_space<hbm>> -> memref<157x128xi32, #tpu.memory_space<hbm>>
      %dma_wait3A_72 = arith.constant 0 : i32
      %dma_wait3A_73 = tpu.memref_slice %arg3[%select_n3A, %dma_wait3A_72] : memref<2500x128xi32, #tpu.memory_space<hbm>> -> memref<157x128xi32, #tpu.memory_space<hbm>>
      tpu.wait_dma2 semaphore(%run_scoped3A : memref<!tpu.dma_semaphore, #tpu.memory_space<semaphore_mem>>) src(%dma_wait3A_73 : memref<157x128xi32, #tpu.memory_space<hbm>>) dst(%arg6 : memref<157x128xi32, #tpu.memory_space<vmem>>)
      tpu.yield
    }) : () -> ()
    "tpu.region"() ({
      %run_scoped3A = tpu.sem_alloc : memref<!tpu.dma_semaphore, #tpu.memory_space<semaphore_mem>>
      %dma_start3A_67 = arith.constant 0 : i32
      %dma_start3A_68 = tpu.memref_slice %arg4[%select_n3A, %dma_start3A_67] : memref<2500x128xi32, #tpu.memory_space<hbm>> -> memref<157x128xi32, #tpu.memory_space<hbm>>
      %dma_start3A_69 = arith.constant 0 : i32
      %dma_start3A_70 = tpu.memref_slice %arg4[%select_n3A, %dma_start3A_69] : memref<2500x128xi32, #tpu.memory_space<hbm>> -> memref<157x128xi32, #tpu.memory_space<hbm>>
      tpu.enqueue_dma source(%dma_start3A_70 : memref<157x128xi32, #tpu.memory_space<hbm>>) target(%arg7 : memref<157x128xi32, #tpu.memory_space<vmem>>) target_semaphore(%run_scoped3A : memref<!tpu.dma_semaphore, #tpu.memory_space<semaphore_mem>>)
      %dma_wait3A = arith.constant 0 : i32
      %dma_wait3A_71 = tpu.memref_slice %arg4[%select_n3A, %dma_wait3A] : memref<2500x128xi32, #tpu.memory_space<hbm>> -> memref<157x128xi32, #tpu.memory_space<hbm>>
      %dma_wait3A_72 = arith.constant 0 : i32
      %dma_wait3A_73 = tpu.memref_slice %arg4[%select_n3A, %dma_wait3A_72] : memref<2500x128xi32, #tpu.memory_space<hbm>> -> memref<157x128xi32, #tpu.memory_space<hbm>>
      tpu.wait_dma2 semaphore(%run_scoped3A : memref<!tpu.dma_semaphore, #tpu.memory_space<semaphore_mem>>) src(%dma_wait3A_73 : memref<157x128xi32, #tpu.memory_space<hbm>>) dst(%arg7 : memref<157x128xi32, #tpu.memory_space<vmem>>)
      tpu.yield
    }) : () -> ()
    %barrier3A = arith.constant 0 : index
    tpu.barrier barrier_id(%barrier3A)
    %dma_start3A = arith.constant 0 : i32
    %dma_start3A_49 = arith.constant 0 : i32
    %dma_start3A_50 = tpu.memref_slice %arg6[%dma_start3A, %dma_start3A_49] : memref<157x128xi32, #tpu.memory_space<vmem>> -> memref<1x128xi32, #tpu.memory_space<vmem>>
    %dma_start3A_51 = tpu.memref_squeeze %dma_start3A_50 : memref<1x128xi32, #tpu.memory_space<vmem>> -> memref<128xi32, #tpu.memory_space<vmem>>
    %dma_start3A_52 = arith.constant 0 : i32
    %dma_start3A_53 = arith.constant 0 : i32
    %dma_start3A_54 = tpu.memref_slice %arg20[%dma_start3A_52, %dma_start3A_53] : memref<10240x32xf32, #tpu.memory_space<vmem_shared>> -> memref<10240x32xf32, #tpu.memory_space<vmem_shared>>
    tpu.enqueue_indirect_dma source(%dma_start3A_54 : memref<10240x32xf32, #tpu.memory_space<vmem_shared>>) target(%arg8 : memref<128x32xf32, #tpu.memory_space<vmem>>) offsets(%dma_start3A_51 : memref<128xi32, #tpu.memory_space<vmem>>) semaphore(%arg12 : memref<!tpu.dma_semaphore, #tpu.memory_space<semaphore_mem>>)
    %dma_start3A_55 = arith.constant 1 : i32
    %dma_start3A_56 = arith.constant 0 : i32
    %dma_start3A_57 = tpu.memref_slice %arg6[%dma_start3A_55, %dma_start3A_56] : memref<157x128xi32, #tpu.memory_space<vmem>> -> memref<1x128xi32, #tpu.memory_space<vmem>>
    %dma_start3A_58 = tpu.memref_squeeze %dma_start3A_57 : memref<1x128xi32, #tpu.memory_space<vmem>> -> memref<128xi32, #tpu.memory_space<vmem>>
    %dma_start3A_59 = arith.constant 0 : i32
    %dma_start3A_60 = arith.constant 0 : i32
    %dma_start3A_61 = tpu.memref_slice %arg20[%dma_start3A_59, %dma_start3A_60] : memref<10240x32xf32, #tpu.memory_space<vmem_shared>> -> memref<10240x32xf32, #tpu.memory_space<vmem_shared>>
    tpu.enqueue_indirect_dma source(%dma_start3A_61 : memref<10240x32xf32, #tpu.memory_space<vmem_shared>>) target(%arg9 : memref<128x32xf32, #tpu.memory_space<vmem>>) offsets(%dma_start3A_58 : memref<128xi32, #tpu.memory_space<vmem>>) semaphore(%arg13 : memref<!tpu.dma_semaphore, #tpu.memory_space<semaphore_mem>>)
    %scan3A = arith.constant 0 : i32
    %scan3A_62 = arith.constant 40 : i32
    %scan3A_63 = arith.addi %scan3A, %scan3A_62 : i32
    %scan3A_64 = arith.constant 1 : i32
    scf.for %scan3A_67 = %scan3A to %scan3A_63 step %scan3A_64  : i32 {
      %mul3A_68 = arith.constant 4 : i32
      %mul3A_69 = arith.muli %scan3A_67, %mul3A_68 : i32
      %add3A_70 = arith.constant 0 : i32
      %add3A_71 = arith.addi %mul3A_69, %add3A_70 : i32
      %lt3A = arith.cmpi slt, %add3A_71, %sub3A_44 : i32
      %convert_element_type3A = arith.extui %lt3A : i1 to i32
      %cond3A = arith.constant 0 : i32
      %cond3A_72 = arith.cmpi ne, %convert_element_type3A, %cond3A : i32
      scf.if %cond3A_72 {
        %dma_wait3A = arith.constant 0 : i32
        %dma_wait3A_156 = tpu.memref_slice %arg6[%add3A_71, %dma_wait3A] : memref<157x128xi32, #tpu.memory_space<vmem>> -> memref<1x128xi32, #tpu.memory_space<vmem>>
        %dma_wait3A_157 = tpu.memref_squeeze %dma_wait3A_156 : memref<1x128xi32, #tpu.memory_space<vmem>> -> memref<128xi32, #tpu.memory_space<vmem>>
        %dma_wait3A_158 = arith.constant 0 : i32
        %dma_wait3A_159 = arith.constant 0 : i32
        %dma_wait3A_160 = tpu.memref_slice %arg20[%dma_wait3A_158, %dma_wait3A_159] : memref<10240x32xf32, #tpu.memory_space<vmem_shared>> -> memref<10240x32xf32, #tpu.memory_space<vmem_shared>>
        tpu.wait_indirect_dma semaphore(%arg12 : memref<!tpu.dma_semaphore, #tpu.memory_space<semaphore_mem>>) src(%dma_wait3A_160 : memref<10240x32xf32, #tpu.memory_space<vmem_shared>>) dst(%arg8 : memref<128x32xf32, #tpu.memory_space<vmem>>)
        %dma_start3A_161 = arith.constant 0 : i32
        %dma_start3A_162 = tpu.memref_slice %arg7[%add3A_71, %dma_start3A_161] : memref<157x128xi32, #tpu.memory_space<vmem>> -> memref<1x128xi32, #tpu.memory_space<vmem>>
        %dma_start3A_163 = tpu.memref_squeeze %dma_start3A_162 : memref<1x128xi32, #tpu.memory_space<vmem>> -> memref<128xi32, #tpu.memory_space<vmem>>
        %dma_start3A_164 = arith.constant 0 : i32
        %dma_start3A_165 = arith.constant 0 : i32
        %dma_start3A_166 = tpu.memref_slice %arg21[%dma_start3A_164, %dma_start3A_165] : memref<10240x32xf32, #tpu.memory_space<vmem_shared>> -> memref<10240x32xf32, #tpu.memory_space<vmem_shared>>
        tpu.enqueue_indirect_dma source(%arg8 : memref<128x32xf32, #tpu.memory_space<vmem>>) target(%dma_start3A_166 : memref<10240x32xf32, #tpu.memory_space<vmem_shared>>) offsets(%dma_start3A_163 : memref<128xi32, #tpu.memory_space<vmem>>) semaphore(%arg16 : memref<!tpu.dma_semaphore, #tpu.memory_space<semaphore_mem>>) {add = true}
      } else {
      }
      %ge3A = arith.constant 2 : i32
      %ge3A_73 = arith.cmpi sge, %add3A_71, %ge3A : i32
      %add3A_74 = arith.constant 2 : i32
      %add3A_75 = arith.addi %sub3A_44, %add3A_74 : i32
      %lt3A_76 = arith.cmpi slt, %add3A_71, %add3A_75 : i32
      %and3A_77 = arith.andi %ge3A_73, %lt3A_76 : i1
      %convert_element_type3A_78 = arith.extui %and3A_77 : i1 to i32
      %cond3A_79 = arith.constant 0 : i32
      %cond3A_80 = arith.cmpi ne, %convert_element_type3A_78, %cond3A_79 : i32
      scf.if %cond3A_80 {
        %sub3A_156 = arith.constant 2 : i32
        %sub3A_157 = arith.subi %add3A_71, %sub3A_156 : i32
        %dma_wait3A = arith.constant 0 : i32
        %dma_wait3A_158 = tpu.memref_slice %arg7[%sub3A_157, %dma_wait3A] : memref<157x128xi32, #tpu.memory_space<vmem>> -> memref<1x128xi32, #tpu.memory_space<vmem>>
        %dma_wait3A_159 = tpu.memref_squeeze %dma_wait3A_158 : memref<1x128xi32, #tpu.memory_space<vmem>> -> memref<128xi32, #tpu.memory_space<vmem>>
        %dma_wait3A_160 = arith.constant 0 : i32
        %dma_wait3A_161 = arith.constant 0 : i32
        %dma_wait3A_162 = tpu.memref_slice %arg21[%dma_wait3A_160, %dma_wait3A_161] : memref<10240x32xf32, #tpu.memory_space<vmem_shared>> -> memref<10240x32xf32, #tpu.memory_space<vmem_shared>>
        tpu.wait_indirect_dma semaphore(%arg18 : memref<!tpu.dma_semaphore, #tpu.memory_space<semaphore_mem>>) src(%arg10 : memref<128x32xf32, #tpu.memory_space<vmem>>) dst(%dma_wait3A_162 : memref<10240x32xf32, #tpu.memory_space<vmem_shared>>)
      } else {
      }
      %add3A_81 = arith.constant 2 : i32
      %add3A_82 = arith.addi %add3A_71, %add3A_81 : i32
      %lt3A_83 = arith.cmpi slt, %add3A_82, %sub3A_44 : i32
      %convert_element_type3A_84 = arith.extui %lt3A_83 : i1 to i32
      %cond3A_85 = arith.constant 0 : i32
      %cond3A_86 = arith.cmpi ne, %convert_element_type3A_84, %cond3A_85 : i32
      scf.if %cond3A_86 {
        %add3A_156 = arith.constant 2 : i32
        %add3A_157 = arith.addi %add3A_71, %add3A_156 : i32
        %dma_start3A_158 = arith.constant 0 : i32
        %dma_start3A_159 = tpu.memref_slice %arg6[%add3A_157, %dma_start3A_158] : memref<157x128xi32, #tpu.memory_space<vmem>> -> memref<1x128xi32, #tpu.memory_space<vmem>>
        %dma_start3A_160 = tpu.memref_squeeze %dma_start3A_159 : memref<1x128xi32, #tpu.memory_space<vmem>> -> memref<128xi32, #tpu.memory_space<vmem>>
        %dma_start3A_161 = arith.constant 0 : i32
        %dma_start3A_162 = arith.constant 0 : i32
        %dma_start3A_163 = tpu.memref_slice %arg20[%dma_start3A_161, %dma_start3A_162] : memref<10240x32xf32, #tpu.memory_space<vmem_shared>> -> memref<10240x32xf32, #tpu.memory_space<vmem_shared>>
        tpu.enqueue_indirect_dma source(%dma_start3A_163 : memref<10240x32xf32, #tpu.memory_space<vmem_shared>>) target(%arg10 : memref<128x32xf32, #tpu.memory_space<vmem>>) offsets(%dma_start3A_160 : memref<128xi32, #tpu.memory_space<vmem>>) semaphore(%arg14 : memref<!tpu.dma_semaphore, #tpu.memory_space<semaphore_mem>>)
      } else {
      }
      %mul3A_87 = arith.constant 4 : i32
      %mul3A_88 = arith.muli %scan3A_67, %mul3A_87 : i32
      %add3A_89 = arith.constant 1 : i32
      %add3A_90 = arith.addi %mul3A_88, %add3A_89 : i32
      %lt3A_91 = arith.cmpi slt, %add3A_90, %sub3A_44 : i32
      %convert_element_type3A_92 = arith.extui %lt3A_91 : i1 to i32
      %cond3A_93 = arith.constant 0 : i32
      %cond3A_94 = arith.cmpi ne, %convert_element_type3A_92, %cond3A_93 : i32
      scf.if %cond3A_94 {
        %dma_wait3A = arith.constant 0 : i32
        %dma_wait3A_156 = tpu.memref_slice %arg6[%add3A_90, %dma_wait3A] : memref<157x128xi32, #tpu.memory_space<vmem>> -> memref<1x128xi32, #tpu.memory_space<vmem>>
        %dma_wait3A_157 = tpu.memref_squeeze %dma_wait3A_156 : memref<1x128xi32, #tpu.memory_space<vmem>> -> memref<128xi32, #tpu.memory_space<vmem>>
        %dma_wait3A_158 = arith.constant 0 : i32
        %dma_wait3A_159 = arith.constant 0 : i32
        %dma_wait3A_160 = tpu.memref_slice %arg20[%dma_wait3A_158, %dma_wait3A_159] : memref<10240x32xf32, #tpu.memory_space<vmem_shared>> -> memref<10240x32xf32, #tpu.memory_space<vmem_shared>>
        tpu.wait_indirect_dma semaphore(%arg13 : memref<!tpu.dma_semaphore, #tpu.memory_space<semaphore_mem>>) src(%dma_wait3A_160 : memref<10240x32xf32, #tpu.memory_space<vmem_shared>>) dst(%arg9 : memref<128x32xf32, #tpu.memory_space<vmem>>)
        %dma_start3A_161 = arith.constant 0 : i32
        %dma_start3A_162 = tpu.memref_slice %arg7[%add3A_90, %dma_start3A_161] : memref<157x128xi32, #tpu.memory_space<vmem>> -> memref<1x128xi32, #tpu.memory_space<vmem>>
        %dma_start3A_163 = tpu.memref_squeeze %dma_start3A_162 : memref<1x128xi32, #tpu.memory_space<vmem>> -> memref<128xi32, #tpu.memory_space<vmem>>
        %dma_start3A_164 = arith.constant 0 : i32
        %dma_start3A_165 = arith.constant 0 : i32
        %dma_start3A_166 = tpu.memref_slice %arg21[%dma_start3A_164, %dma_start3A_165] : memref<10240x32xf32, #tpu.memory_space<vmem_shared>> -> memref<10240x32xf32, #tpu.memory_space<vmem_shared>>
        tpu.enqueue_indirect_dma source(%arg9 : memref<128x32xf32, #tpu.memory_space<vmem>>) target(%dma_start3A_166 : memref<10240x32xf32, #tpu.memory_space<vmem_shared>>) offsets(%dma_start3A_163 : memref<128xi32, #tpu.memory_space<vmem>>) semaphore(%arg17 : memref<!tpu.dma_semaphore, #tpu.memory_space<semaphore_mem>>) {add = true}
      } else {
      }
      %ge3A_95 = arith.constant 2 : i32
      %ge3A_96 = arith.cmpi sge, %add3A_90, %ge3A_95 : i32
      %add3A_97 = arith.constant 2 : i32
      %add3A_98 = arith.addi %sub3A_44, %add3A_97 : i32
      %lt3A_99 = arith.cmpi slt, %add3A_90, %add3A_98 : i32
      %and3A_100 = arith.andi %ge3A_96, %lt3A_99 : i1
      %convert_element_type3A_101 = arith.extui %and3A_100 : i1 to i32
      %cond3A_102 = arith.constant 0 : i32
      %cond3A_103 = arith.cmpi ne, %convert_element_type3A_101, %cond3A_102 : i32
      scf.if %cond3A_103 {
        %sub3A_156 = arith.constant 2 : i32
        %sub3A_157 = arith.subi %add3A_90, %sub3A_156 : i32
        %dma_wait3A = arith.constant 0 : i32
        %dma_wait3A_158 = tpu.memref_slice %arg7[%sub3A_157, %dma_wait3A] : memref<157x128xi32, #tpu.memory_space<vmem>> -> memref<1x128xi32, #tpu.memory_space<vmem>>
        %dma_wait3A_159 = tpu.memref_squeeze %dma_wait3A_158 : memref<1x128xi32, #tpu.memory_space<vmem>> -> memref<128xi32, #tpu.memory_space<vmem>>
        %dma_wait3A_160 = arith.constant 0 : i32
        %dma_wait3A_161 = arith.constant 0 : i32
        %dma_wait3A_162 = tpu.memref_slice %arg21[%dma_wait3A_160, %dma_wait3A_161] : memref<10240x32xf32, #tpu.memory_space<vmem_shared>> -> memref<10240x32xf32, #tpu.memory_space<vmem_shared>>
        tpu.wait_indirect_dma semaphore(%arg19 : memref<!tpu.dma_semaphore, #tpu.memory_space<semaphore_mem>>) src(%arg11 : memref<128x32xf32, #tpu.memory_space<vmem>>) dst(%dma_wait3A_162 : memref<10240x32xf32, #tpu.memory_space<vmem_shared>>)
      } else {
      }
      %add3A_104 = arith.constant 2 : i32
      %add3A_105 = arith.addi %add3A_90, %add3A_104 : i32
      %lt3A_106 = arith.cmpi slt, %add3A_105, %sub3A_44 : i32
      %convert_element_type3A_107 = arith.extui %lt3A_106 : i1 to i32
      %cond3A_108 = arith.constant 0 : i32
      %cond3A_109 = arith.cmpi ne, %convert_element_type3A_107, %cond3A_108 : i32
      scf.if %cond3A_109 {
        %add3A_156 = arith.constant 2 : i32
        %add3A_157 = arith.addi %add3A_90, %add3A_156 : i32
        %dma_start3A_158 = arith.constant 0 : i32
        %dma_start3A_159 = tpu.memref_slice %arg6[%add3A_157, %dma_start3A_158] : memref<157x128xi32, #tpu.memory_space<vmem>> -> memref<1x128xi32, #tpu.memory_space<vmem>>
        %dma_start3A_160 = tpu.memref_squeeze %dma_start3A_159 : memref<1x128xi32, #tpu.memory_space<vmem>> -> memref<128xi32, #tpu.memory_space<vmem>>
        %dma_start3A_161 = arith.constant 0 : i32
        %dma_start3A_162 = arith.constant 0 : i32
        %dma_start3A_163 = tpu.memref_slice %arg20[%dma_start3A_161, %dma_start3A_162] : memref<10240x32xf32, #tpu.memory_space<vmem_shared>> -> memref<10240x32xf32, #tpu.memory_space<vmem_shared>>
        tpu.enqueue_indirect_dma source(%dma_start3A_163 : memref<10240x32xf32, #tpu.memory_space<vmem_shared>>) target(%arg11 : memref<128x32xf32, #tpu.memory_space<vmem>>) offsets(%dma_start3A_160 : memref<128xi32, #tpu.memory_space<vmem>>) semaphore(%arg15 : memref<!tpu.dma_semaphore, #tpu.memory_space<semaphore_mem>>)
      } else {
      }
      %mul3A_110 = arith.constant 4 : i32
      %mul3A_111 = arith.muli %scan3A_67, %mul3A_110 : i32
      %add3A_112 = arith.constant 2 : i32
      %add3A_113 = arith.addi %mul3A_111, %add3A_112 : i32
      %lt3A_114 = arith.cmpi slt, %add3A_113, %sub3A_44 : i32
      %convert_element_type3A_115 = arith.extui %lt3A_114 : i1 to i32
      %cond3A_116 = arith.constant 0 : i32
      %cond3A_117 = arith.cmpi ne, %convert_element_type3A_115, %cond3A_116 : i32
      scf.if %cond3A_117 {
        %dma_wait3A = arith.constant 0 : i32
        %dma_wait3A_156 = tpu.memref_slice %arg6[%add3A_113, %dma_wait3A] : memref<157x128xi32, #tpu.memory_space<vmem>> -> memref<1x128xi32, #tpu.memory_space<vmem>>
        %dma_wait3A_157 = tpu.memref_squeeze %dma_wait3A_156 : memref<1x128xi32, #tpu.memory_space<vmem>> -> memref<128xi32, #tpu.memory_space<vmem>>
        %dma_wait3A_158 = arith.constant 0 : i32
        %dma_wait3A_159 = arith.constant 0 : i32
        %dma_wait3A_160 = tpu.memref_slice %arg20[%dma_wait3A_158, %dma_wait3A_159] : memref<10240x32xf32, #tpu.memory_space<vmem_shared>> -> memref<10240x32xf32, #tpu.memory_space<vmem_shared>>
        tpu.wait_indirect_dma semaphore(%arg14 : memref<!tpu.dma_semaphore, #tpu.memory_space<semaphore_mem>>) src(%dma_wait3A_160 : memref<10240x32xf32, #tpu.memory_space<vmem_shared>>) dst(%arg10 : memref<128x32xf32, #tpu.memory_space<vmem>>)
        %dma_start3A_161 = arith.constant 0 : i32
        %dma_start3A_162 = tpu.memref_slice %arg7[%add3A_113, %dma_start3A_161] : memref<157x128xi32, #tpu.memory_space<vmem>> -> memref<1x128xi32, #tpu.memory_space<vmem>>
        %dma_start3A_163 = tpu.memref_squeeze %dma_start3A_162 : memref<1x128xi32, #tpu.memory_space<vmem>> -> memref<128xi32, #tpu.memory_space<vmem>>
        %dma_start3A_164 = arith.constant 0 : i32
        %dma_start3A_165 = arith.constant 0 : i32
        %dma_start3A_166 = tpu.memref_slice %arg21[%dma_start3A_164, %dma_start3A_165] : memref<10240x32xf32, #tpu.memory_space<vmem_shared>> -> memref<10240x32xf32, #tpu.memory_space<vmem_shared>>
        tpu.enqueue_indirect_dma source(%arg10 : memref<128x32xf32, #tpu.memory_space<vmem>>) target(%dma_start3A_166 : memref<10240x32xf32, #tpu.memory_space<vmem_shared>>) offsets(%dma_start3A_163 : memref<128xi32, #tpu.memory_space<vmem>>) semaphore(%arg18 : memref<!tpu.dma_semaphore, #tpu.memory_space<semaphore_mem>>) {add = true}
      } else {
      }
      %ge3A_118 = arith.constant 2 : i32
      %ge3A_119 = arith.cmpi sge, %add3A_113, %ge3A_118 : i32
      %add3A_120 = arith.constant 2 : i32
      %add3A_121 = arith.addi %sub3A_44, %add3A_120 : i32
      %lt3A_122 = arith.cmpi slt, %add3A_113, %add3A_121 : i32
      %and3A_123 = arith.andi %ge3A_119, %lt3A_122 : i1
      %convert_element_type3A_124 = arith.extui %and3A_123 : i1 to i32
      %cond3A_125 = arith.constant 0 : i32
      %cond3A_126 = arith.cmpi ne, %convert_element_type3A_124, %cond3A_125 : i32
      scf.if %cond3A_126 {
        %sub3A_156 = arith.constant 2 : i32
        %sub3A_157 = arith.subi %add3A_113, %sub3A_156 : i32
        %dma_wait3A = arith.constant 0 : i32
        %dma_wait3A_158 = tpu.memref_slice %arg7[%sub3A_157, %dma_wait3A] : memref<157x128xi32, #tpu.memory_space<vmem>> -> memref<1x128xi32, #tpu.memory_space<vmem>>
        %dma_wait3A_159 = tpu.memref_squeeze %dma_wait3A_158 : memref<1x128xi32, #tpu.memory_space<vmem>> -> memref<128xi32, #tpu.memory_space<vmem>>
        %dma_wait3A_160 = arith.constant 0 : i32
        %dma_wait3A_161 = arith.constant 0 : i32
        %dma_wait3A_162 = tpu.memref_slice %arg21[%dma_wait3A_160, %dma_wait3A_161] : memref<10240x32xf32, #tpu.memory_space<vmem_shared>> -> memref<10240x32xf32, #tpu.memory_space<vmem_shared>>
        tpu.wait_indirect_dma semaphore(%arg16 : memref<!tpu.dma_semaphore, #tpu.memory_space<semaphore_mem>>) src(%arg8 : memref<128x32xf32, #tpu.memory_space<vmem>>) dst(%dma_wait3A_162 : memref<10240x32xf32, #tpu.memory_space<vmem_shared>>)
      } else {
      }
      %add3A_127 = arith.constant 2 : i32
      %add3A_128 = arith.addi %add3A_113, %add3A_127 : i32
      %lt3A_129 = arith.cmpi slt, %add3A_128, %sub3A_44 : i32
      %convert_element_type3A_130 = arith.extui %lt3A_129 : i1 to i32
      %cond3A_131 = arith.constant 0 : i32
      %cond3A_132 = arith.cmpi ne, %convert_element_type3A_130, %cond3A_131 : i32
      scf.if %cond3A_132 {
        %add3A_156 = arith.constant 2 : i32
        %add3A_157 = arith.addi %add3A_113, %add3A_156 : i32
        %dma_start3A_158 = arith.constant 0 : i32
        %dma_start3A_159 = tpu.memref_slice %arg6[%add3A_157, %dma_start3A_158] : memref<157x128xi32, #tpu.memory_space<vmem>> -> memref<1x128xi32, #tpu.memory_space<vmem>>
        %dma_start3A_160 = tpu.memref_squeeze %dma_start3A_159 : memref<1x128xi32, #tpu.memory_space<vmem>> -> memref<128xi32, #tpu.memory_space<vmem>>
        %dma_start3A_161 = arith.constant 0 : i32
        %dma_start3A_162 = arith.constant 0 : i32
        %dma_start3A_163 = tpu.memref_slice %arg20[%dma_start3A_161, %dma_start3A_162] : memref<10240x32xf32, #tpu.memory_space<vmem_shared>> -> memref<10240x32xf32, #tpu.memory_space<vmem_shared>>
        tpu.enqueue_indirect_dma source(%dma_start3A_163 : memref<10240x32xf32, #tpu.memory_space<vmem_shared>>) target(%arg8 : memref<128x32xf32, #tpu.memory_space<vmem>>) offsets(%dma_start3A_160 : memref<128xi32, #tpu.memory_space<vmem>>) semaphore(%arg12 : memref<!tpu.dma_semaphore, #tpu.memory_space<semaphore_mem>>)
      } else {
      }
      %mul3A_133 = arith.constant 4 : i32
      %mul3A_134 = arith.muli %scan3A_67, %mul3A_133 : i32
      %add3A_135 = arith.constant 3 : i32
      %add3A_136 = arith.addi %mul3A_134, %add3A_135 : i32
      %lt3A_137 = arith.cmpi slt, %add3A_136, %sub3A_44 : i32
      %convert_element_type3A_138 = arith.extui %lt3A_137 : i1 to i32
      %cond3A_139 = arith.constant 0 : i32
      %cond3A_140 = arith.cmpi ne, %convert_element_type3A_138, %cond3A_139 : i32
      scf.if %cond3A_140 {
        %dma_wait3A = arith.constant 0 : i32
        %dma_wait3A_156 = tpu.memref_slice %arg6[%add3A_136, %dma_wait3A] : memref<157x128xi32, #tpu.memory_space<vmem>> -> memref<1x128xi32, #tpu.memory_space<vmem>>
        %dma_wait3A_157 = tpu.memref_squeeze %dma_wait3A_156 : memref<1x128xi32, #tpu.memory_space<vmem>> -> memref<128xi32, #tpu.memory_space<vmem>>
        %dma_wait3A_158 = arith.constant 0 : i32
        %dma_wait3A_159 = arith.constant 0 : i32
        %dma_wait3A_160 = tpu.memref_slice %arg20[%dma_wait3A_158, %dma_wait3A_159] : memref<10240x32xf32, #tpu.memory_space<vmem_shared>> -> memref<10240x32xf32, #tpu.memory_space<vmem_shared>>
        tpu.wait_indirect_dma semaphore(%arg15 : memref<!tpu.dma_semaphore, #tpu.memory_space<semaphore_mem>>) src(%dma_wait3A_160 : memref<10240x32xf32, #tpu.memory_space<vmem_shared>>) dst(%arg11 : memref<128x32xf32, #tpu.memory_space<vmem>>)
        %dma_start3A_161 = arith.constant 0 : i32
        %dma_start3A_162 = tpu.memref_slice %arg7[%add3A_136, %dma_start3A_161] : memref<157x128xi32, #tpu.memory_space<vmem>> -> memref<1x128xi32, #tpu.memory_space<vmem>>
        %dma_start3A_163 = tpu.memref_squeeze %dma_start3A_162 : memref<1x128xi32, #tpu.memory_space<vmem>> -> memref<128xi32, #tpu.memory_space<vmem>>
        %dma_start3A_164 = arith.constant 0 : i32
        %dma_start3A_165 = arith.constant 0 : i32
        %dma_start3A_166 = tpu.memref_slice %arg21[%dma_start3A_164, %dma_start3A_165] : memref<10240x32xf32, #tpu.memory_space<vmem_shared>> -> memref<10240x32xf32, #tpu.memory_space<vmem_shared>>
        tpu.enqueue_indirect_dma source(%arg11 : memref<128x32xf32, #tpu.memory_space<vmem>>) target(%dma_start3A_166 : memref<10240x32xf32, #tpu.memory_space<vmem_shared>>) offsets(%dma_start3A_163 : memref<128xi32, #tpu.memory_space<vmem>>) semaphore(%arg19 : memref<!tpu.dma_semaphore, #tpu.memory_space<semaphore_mem>>) {add = true}
      } else {
      }
      %ge3A_141 = arith.constant 2 : i32
      %ge3A_142 = arith.cmpi sge, %add3A_136, %ge3A_141 : i32
      %add3A_143 = arith.constant 2 : i32
      %add3A_144 = arith.addi %sub3A_44, %add3A_143 : i32
      %lt3A_145 = arith.cmpi slt, %add3A_136, %add3A_144 : i32
      %and3A_146 = arith.andi %ge3A_142, %lt3A_145 : i1
      %convert_element_type3A_147 = arith.extui %and3A_146 : i1 to i32
      %cond3A_148 = arith.constant 0 : i32
      %cond3A_149 = arith.cmpi ne, %convert_element_type3A_147, %cond3A_148 : i32
      scf.if %cond3A_149 {
        %sub3A_156 = arith.constant 2 : i32
        %sub3A_157 = arith.subi %add3A_136, %sub3A_156 : i32
        %dma_wait3A = arith.constant 0 : i32
        %dma_wait3A_158 = tpu.memref_slice %arg7[%sub3A_157, %dma_wait3A] : memref<157x128xi32, #tpu.memory_space<vmem>> -> memref<1x128xi32, #tpu.memory_space<vmem>>
        %dma_wait3A_159 = tpu.memref_squeeze %dma_wait3A_158 : memref<1x128xi32, #tpu.memory_space<vmem>> -> memref<128xi32, #tpu.memory_space<vmem>>
        %dma_wait3A_160 = arith.constant 0 : i32
        %dma_wait3A_161 = arith.constant 0 : i32
        %dma_wait3A_162 = tpu.memref_slice %arg21[%dma_wait3A_160, %dma_wait3A_161] : memref<10240x32xf32, #tpu.memory_space<vmem_shared>> -> memref<10240x32xf32, #tpu.memory_space<vmem_shared>>
        tpu.wait_indirect_dma semaphore(%arg17 : memref<!tpu.dma_semaphore, #tpu.memory_space<semaphore_mem>>) src(%arg9 : memref<128x32xf32, #tpu.memory_space<vmem>>) dst(%dma_wait3A_162 : memref<10240x32xf32, #tpu.memory_space<vmem_shared>>)
      } else {
      }
      %add3A_150 = arith.constant 2 : i32
      %add3A_151 = arith.addi %add3A_136, %add3A_150 : i32
      %lt3A_152 = arith.cmpi slt, %add3A_151, %sub3A_44 : i32
      %convert_element_type3A_153 = arith.extui %lt3A_152 : i1 to i32
      %cond3A_154 = arith.constant 0 : i32
      %cond3A_155 = arith.cmpi ne, %convert_element_type3A_153, %cond3A_154 : i32
      scf.if %cond3A_155 {
        %add3A_156 = arith.constant 2 : i32
        %add3A_157 = arith.addi %add3A_136, %add3A_156 : i32
        %dma_start3A_158 = arith.constant 0 : i32
        %dma_start3A_159 = tpu.memref_slice %arg6[%add3A_157, %dma_start3A_158] : memref<157x128xi32, #tpu.memory_space<vmem>> -> memref<1x128xi32, #tpu.memory_space<vmem>>
        %dma_start3A_160 = tpu.memref_squeeze %dma_start3A_159 : memref<1x128xi32, #tpu.memory_space<vmem>> -> memref<128xi32, #tpu.memory_space<vmem>>
        %dma_start3A_161 = arith.constant 0 : i32
        %dma_start3A_162 = arith.constant 0 : i32
        %dma_start3A_163 = tpu.memref_slice %arg20[%dma_start3A_161, %dma_start3A_162] : memref<10240x32xf32, #tpu.memory_space<vmem_shared>> -> memref<10240x32xf32, #tpu.memory_space<vmem_shared>>
        tpu.enqueue_indirect_dma source(%dma_start3A_163 : memref<10240x32xf32, #tpu.memory_space<vmem_shared>>) target(%arg9 : memref<128x32xf32, #tpu.memory_space<vmem>>) offsets(%dma_start3A_160 : memref<128xi32, #tpu.memory_space<vmem>>) semaphore(%arg13 : memref<!tpu.dma_semaphore, #tpu.memory_space<semaphore_mem>>)
      } else {
      }
    }
    %scan3A_65 = arith.constant 40 : i32
    %barrier3A_66 = arith.constant 0 : index
    tpu.barrier barrier_id(%barrier3A_66)
    "tpu.region"() ({
      %run_scoped3A = tpu.sem_alloc : memref<!tpu.dma_semaphore, #tpu.memory_space<semaphore_mem>>
      %dma_start3A_67 = tpu.memref_slice %arg5[%mul3A_46, %mul3A_48] : memref<10240x64xf32, #tpu.memory_space<hbm>> -> memref<640x32xf32, #tpu.memory_space<hbm>>
      %dma_start3A_68 = arith.constant 0 : i32
      %dma_start3A_69 = tpu.memref_slice %arg21[%mul3A_46, %dma_start3A_68] : memref<10240x32xf32, #tpu.memory_space<vmem_shared>> -> memref<640x32xf32, #tpu.memory_space<vmem_shared>>
      tpu.enqueue_dma source(%dma_start3A_69 : memref<640x32xf32, #tpu.memory_space<vmem_shared>>) target(%dma_start3A_67 : memref<640x32xf32, #tpu.memory_space<hbm>>) target_semaphore(%run_scoped3A : memref<!tpu.dma_semaphore, #tpu.memory_space<semaphore_mem>>)
      %dma_wait3A = tpu.memref_slice %arg5[%mul3A_46, %mul3A_48] : memref<10240x64xf32, #tpu.memory_space<hbm>> -> memref<640x32xf32, #tpu.memory_space<hbm>>
      %dma_wait3A_70 = arith.constant 0 : i32
      %dma_wait3A_71 = tpu.memref_slice %arg21[%mul3A_46, %dma_wait3A_70] : memref<10240x32xf32, #tpu.memory_space<vmem_shared>> -> memref<640x32xf32, #tpu.memory_space<vmem_shared>>
      tpu.wait_dma2 semaphore(%run_scoped3A : memref<!tpu.dma_semaphore, #tpu.memory_space<semaphore_mem>>) src(%dma_wait3A_71 : memref<640x32xf32, #tpu.memory_space<vmem_shared>>) dst(%dma_wait3A : memref<640x32xf32, #tpu.memory_space<hbm>>)
      tpu.yield
    }) : () -> ()
    return
  }
}

module attributes {stable_mosaic.version = 14 : i64} {
  func.func @body(%arg0: memref<10240x128xf32, #tpu.memory_space<vmem>>, %arg1: memref<128x64xf32, #tpu.memory_space<vmem>>, %arg2: memref<2x10240x1xf32, #tpu.memory_space<vmem>>, %arg3: memref<10240x64xf32, #tpu.memory_space<vmem>>, %arg4: memref<10240x1xf32, #tpu.memory_space<vmem>>) attributes {dimension_semantics = [], scalar_prefetch = 0 : i64, scratch_operands = 0 : i64, tpu.core_type = #tpu.core_type<tc>} {
    %get3A = arith.constant 0 : index
    %get3A_0 = arith.constant 0 : index
    %get3A_1 = arith.constant 0 : index
    %get3A_2 = vector.load %arg2[%get3A, %get3A_0, %get3A_1] : memref<2x10240x1xf32, #tpu.memory_space<vmem>>, vector<1x10240x1xf32>
    %get3A_3 = vector.shape_cast %get3A_2 : vector<1x10240x1xf32> to vector<10240x1xf32>
    %get3A_4 = arith.constant 1 : index
    %get3A_5 = arith.constant 0 : index
    %get3A_6 = arith.constant 0 : index
    %get3A_7 = vector.load %arg2[%get3A_4, %get3A_5, %get3A_6] : memref<2x10240x1xf32, #tpu.memory_space<vmem>>, vector<1x10240x1xf32>
    %get3A_8 = vector.shape_cast %get3A_7 : vector<1x10240x1xf32> to vector<10240x1xf32>
    %add3A = arith.addf %get3A_3, %get3A_8 : vector<10240x1xf32>
    %add3A_9 = arith.constant 1.000000e+00 : f32
    %add3A_10 = vector.broadcast %add3A_9 : f32 to vector<10240x1xf32>
    %add3A_11 = arith.addf %add3A, %add3A_10 : vector<10240x1xf32>
    %rsqrt3A = math.rsqrt %add3A_11 : vector<10240x1xf32>
    %swap3A = arith.constant 0 : index
    %swap3A_12 = arith.constant 0 : index
    %swap3A_13 = vector.load %arg4[%swap3A, %swap3A_12] : memref<10240x1xf32, #tpu.memory_space<vmem>>, vector<10240x1xf32>
    tpu.vector_store %arg4[%swap3A, %swap3A_12], %rsqrt3A {strides = array<i32>} : memref<10240x1xf32, #tpu.memory_space<vmem>>, vector<10240x1xf32>,
    %get3A_14 = arith.constant 0 : index
    %get3A_15 = arith.constant 0 : index
    %get3A_16 = vector.load %arg0[%get3A_14, %get3A_15] : memref<10240x128xf32, #tpu.memory_space<vmem>>, vector<10240x128xf32>
    %get3A_17 = arith.constant 0 : index
    %get3A_18 = arith.constant 0 : index
    %get3A_19 = vector.load %arg1[%get3A_17, %get3A_18] : memref<128x64xf32, #tpu.memory_space<vmem>>, vector<128x64xf32>
    %dot_general3A = arith.constant dense<0.000000e+00> : vector<10240x64xf32>
    %dot_general3A_20 = tpu.matmul %get3A_16, %get3A_19, %dot_general3A {dimension_numbers = #tpu.dot_dimension_numbers<[1], [0], [0], [1], [0, 0, 1, 1], [], []>, transpose_lhs_hint = false} : vector<10240x128xf32>, vector<128x64xf32>, vector<10240x64xf32> -> vector<10240x64xf32>
    %get3A_21 = arith.constant 0 : index
    %get3A_22 = arith.constant 0 : index
    %get3A_23 = vector.load %arg4[%get3A_21, %get3A_22] : memref<10240x1xf32, #tpu.memory_space<vmem>>, vector<10240x1xf32>
    %mul3A = vector.broadcast %get3A_23 : vector<10240x1xf32> to vector<10240x64xf32>
    %mul3A_24 = arith.mulf %dot_general3A_20, %mul3A : vector<10240x64xf32>
    %swap3A_25 = arith.constant 0 : index
    %swap3A_26 = arith.constant 0 : index
    %swap3A_27 = vector.load %arg3[%swap3A_25, %swap3A_26] : memref<10240x64xf32, #tpu.memory_space<vmem>>, vector<10240x64xf32>
    tpu.vector_store %arg3[%swap3A_25, %swap3A_26], %mul3A_24 {strides = array<i32>} : memref<10240x64xf32, #tpu.memory_space<vmem>>, vector<10240x64xf32>,
    return
  }
}

module attributes {stable_mosaic.version = 14 : i64} {
  func.func @body(%arg0: memref<10240x64xf32, #tpu.memory_space<vmem>>, %arg1: memref<10240x1xf32, #tpu.memory_space<vmem>>, %arg2: memref<1x64xf32, #tpu.memory_space<vmem>>, %arg3: memref<64x64xf32, #tpu.memory_space<vmem>>, %arg4: memref<10240x64xf32, #tpu.memory_space<vmem>>) attributes {dimension_semantics = [], scalar_prefetch = 0 : i64, scratch_operands = 0 : i64, tpu.core_type = #tpu.core_type<tc>} {
    %get3A = arith.constant 0 : index
    %get3A_0 = arith.constant 0 : index
    %get3A_1 = vector.load %arg0[%get3A, %get3A_0] : memref<10240x64xf32, #tpu.memory_space<vmem>>, vector<10240x64xf32>
    %get3A_2 = arith.constant 0 : index
    %get3A_3 = arith.constant 0 : index
    %get3A_4 = vector.load %arg1[%get3A_2, %get3A_3] : memref<10240x1xf32, #tpu.memory_space<vmem>>, vector<10240x1xf32>
    %mul3A = vector.broadcast %get3A_4 : vector<10240x1xf32> to vector<10240x64xf32>
    %mul3A_5 = arith.mulf %get3A_1, %mul3A : vector<10240x64xf32>
    %get3A_6 = arith.constant 0 : index
    %get3A_7 = arith.constant 0 : index
    %get3A_8 = vector.load %arg2[%get3A_6, %get3A_7] : memref<1x64xf32, #tpu.memory_space<vmem>>, vector<1x64xf32>
    %add3A = vector.broadcast %get3A_8 : vector<1x64xf32> to vector<10240x64xf32>
    %add3A_9 = arith.addf %mul3A_5, %add3A : vector<10240x64xf32>
    %max3A = arith.constant 0.000000e+00 : f32
    %max3A_10 = vector.broadcast %max3A : f32 to vector<10240x64xf32>
    %max3A_11 = arith.maximumf %add3A_9, %max3A_10 : vector<10240x64xf32>
    %get3A_12 = arith.constant 0 : index
    %get3A_13 = arith.constant 0 : index
    %get3A_14 = vector.load %arg3[%get3A_12, %get3A_13] : memref<64x64xf32, #tpu.memory_space<vmem>>, vector<64x64xf32>
    %dot_general3A = arith.constant dense<0.000000e+00> : vector<10240x64xf32>
    %dot_general3A_15 = tpu.matmul %max3A_11, %get3A_14, %dot_general3A {dimension_numbers = #tpu.dot_dimension_numbers<[1], [0], [0], [1], [0, 0, 1, 1], [], []>, transpose_lhs_hint = false} : vector<10240x64xf32>, vector<64x64xf32>, vector<10240x64xf32> -> vector<10240x64xf32>
    %get3A_16 = arith.constant 0 : index
    %get3A_17 = arith.constant 0 : index
    %get3A_18 = vector.load %arg1[%get3A_16, %get3A_17] : memref<10240x1xf32, #tpu.memory_space<vmem>>, vector<10240x1xf32>
    %mul3A_19 = vector.broadcast %get3A_18 : vector<10240x1xf32> to vector<10240x64xf32>
    %mul3A_20 = arith.mulf %dot_general3A_15, %mul3A_19 : vector<10240x64xf32>
    %swap3A = arith.constant 0 : index
    %swap3A_21 = arith.constant 0 : index
    %swap3A_22 = vector.load %arg4[%swap3A, %swap3A_21] : memref<10240x64xf32, #tpu.memory_space<vmem>>, vector<10240x64xf32>
    tpu.vector_store %arg4[%swap3A, %swap3A_21], %mul3A_20 {strides = array<i32>} : memref<10240x64xf32, #tpu.memory_space<vmem>>, vector<10240x64xf32>,
    return
  }
}

module attributes {stable_mosaic.version = 14 : i64} {
  func.func @body(%arg0: memref<10240x64xf32, #tpu.memory_space<vmem>>, %arg1: memref<10240x1xf32, #tpu.memory_space<vmem>>, %arg2: memref<1x64xf32, #tpu.memory_space<vmem>>, %arg3: memref<10000x32xf32, #tpu.memory_space<vmem>>, %arg4: memref<10000x32xf32, #tpu.memory_space<vmem>>) attributes {dimension_semantics = [], scalar_prefetch = 0 : i64, scratch_operands = 0 : i64, tpu.core_type = #tpu.core_type<tc>} {
    %get3A = arith.constant 0 : index
    %get3A_0 = arith.constant 0 : index
    %get3A_1 = vector.load %arg0[%get3A, %get3A_0] : memref<10240x64xf32, #tpu.memory_space<vmem>>, vector<10240x64xf32>
    %get3A_2 = arith.constant 0 : index
    %get3A_3 = arith.constant 0 : index
    %get3A_4 = vector.load %arg1[%get3A_2, %get3A_3] : memref<10240x1xf32, #tpu.memory_space<vmem>>, vector<10240x1xf32>
    %mul3A = vector.broadcast %get3A_4 : vector<10240x1xf32> to vector<10240x64xf32>
    %mul3A_5 = arith.mulf %get3A_1, %mul3A : vector<10240x64xf32>
    %get3A_6 = arith.constant 0 : index
    %get3A_7 = arith.constant 0 : index
    %get3A_8 = vector.load %arg2[%get3A_6, %get3A_7] : memref<1x64xf32, #tpu.memory_space<vmem>>, vector<1x64xf32>
    %add3A = vector.broadcast %get3A_8 : vector<1x64xf32> to vector<10240x64xf32>
    %add3A_9 = arith.addf %mul3A_5, %add3A : vector<10240x64xf32>
    %slice3A = vector.extract_strided_slice %add3A_9 {offsets = [0, 0], sizes = [10000, 32], strides = [1, 1]} : vector<10240x64xf32> to vector<10000x32xf32>
    %swap3A = arith.constant 0 : index
    %swap3A_10 = arith.constant 0 : index
    %swap3A_11 = vector.load %arg3[%swap3A, %swap3A_10] : memref<10000x32xf32, #tpu.memory_space<vmem>>, vector<10000x32xf32>
    tpu.vector_store %arg3[%swap3A, %swap3A_10], %slice3A {strides = array<i32>} : memref<10000x32xf32, #tpu.memory_space<vmem>>, vector<10000x32xf32>,
    %slice3A_12 = vector.extract_strided_slice %add3A_9 {offsets = [0, 32], sizes = [10000, 32], strides = [1, 1]} : vector<10240x64xf32> to vector<10000x32xf32>
    %swap3A_13 = arith.constant 0 : index
    %swap3A_14 = arith.constant 0 : index
    %swap3A_15 = vector.load %arg4[%swap3A_13, %swap3A_14] : memref<10000x32xf32, #tpu.memory_space<vmem>>, vector<10000x32xf32>
    tpu.vector_store %arg4[%swap3A_13, %swap3A_14], %slice3A_12 {strides = array<i32>} : memref<10000x32xf32, #tpu.memory_space<vmem>>, vector<10000x32xf32>,
    return
  }
}

</mosaic_0001>

<sc_bundles>
// kernel: kernel.11.cloned.1.call-start
scs
__scs_entry_jumppad:
0x0: {  	(pc) =	sbr.rel $0x88, $3  }
0x1: {  	(tag) =	ssettag $0x0;
	lr =	simm.s32 $0x1  }
0x2: {  	[smem:$0x3F99] =	sst lr;
	_ =	strace $0xD0000000  }
0x3: {  	_ = 	snop  }
0x4: {  	_ = 	snop  }
0x5: {  	_ = 	snop  }
0x6: {  	_ = 	snop  }
0x7: {  	_ = 	snop  }
__scs_overlays_trampoline_lowered:
0x8: {  	[smem:$0x3FA8] =	sst s0  }
0x9: {  	[smem:$0x3FA9] =	sst s1  }
0xa: {  	[smem:$0x3FAA] =	sst s2  }
0xb: {  	[smem:$0x3FAB] =	sst s3  }
0xc: {  	[smem:$0x3FAC] =	sst s4  }
0xd: {  	[smem:$0x3FAD] =	sst s5  }
0xe: {  	[smem:$0x3FAE] =	sst s6  }
0xf: {  	[smem:$0x3FAF] =	sst s7  }
0x10: {  	[smem:$0x3FB0] =	sst s8  }
0x11: {  	[smem:$0x3FB1] =	sst s9;
	s0 =	simm.s32 @!p0 $0x0  }
0x12: {  	s1 =	sld [smem:$0x3F97];
	s0 =	simm.s32 @p0 $0x1  }
0x13: {  	[smem:$0x3FB2] =	sst s0;
	s0 =	simm.s32 @!p1 $0x0  }
0x14: {  	s2 =	sld [smem:$0x3F96];
	s0 =	simm.s32 @p1 $0x1  }
0x15: {  	[smem:$0x3FB3] =	sst s0;
	s0 =	simm.s32 @!p2 $0x0  }
0x16: {  	s3 =	sld [smem:$0x3FDB];
	s0 =	simm.s32 @p2 $0x1  }
0x17: {  	s4 =	simm.s32 $0x1BF5;
	[smem:$0x3FB5] =	sst s0  }
0x18: {  	s0 =	sld [smem:$0x3F98];
	_ =	swait.ge [sflag:s4], $0x0  }
0x19: {  	s7 =	sld [smem:$0x3F99]  }
0x1a: {  	s8 =	sadd.s32 $0xFFFFE003, lr  }
0x1b: {  	s9 =	sadd.s32 $0xFFFFFEF7, lr;
	s5 =	simm.s32 $0xFFFFFFFF;
	p2 =	slt.u32 s8, $0xFFFFF086  }
0x1c: {  	p1 =	slt.u32 s9, $0xF7A;
	s5 =	simm.s32 @!p2 $0x0  }
0x1d: {  	s5 =	simm.s32 @p1 $0x1;
	p0 =	seq.s32 s7, s2  }
0x1e: {  	s7 =	smul.u32 @!p0 $0xF7A, s2;
	p2 =	seq.s32 @!p0 s5, $0x0  }
0x1f: {  	s9 =	smul.u32 $0xF7A, s1;
	s8 =	simm.s32 @!p0 $0x1BF5;
	p2 =	por !p2, p0  }
0x20: {  	[sflag:s8] =	ssyncset.s32 @!p0 $0xFFFFF086;
	s6 =	sadd.s32 @!p0 s3, s7;
	s7 =	simm.s32 @!p0 $0x108  }
0x21: {  	s3 =	sadd.s32 s3, s9;
	s6 =	sadd.s32 @!p0 $0x88, s6;
	s7 =	simm.s32 @p2 $0x1082  }
0x22: {  	[simem:s7], [sflag:s8] =	dma.local @!p0 [hbm:s6], $0xF7A  }
0x23: {  	s9 =	sor.u32 $0xD0000000, s2;
	s6 =	simm.s32 $0x108;
	_ =	swait.ge @!p0 [sflag:s8], $0x0  }
0x24: {  	s3 =	sadd.s32 $0x88, s3;
	s6 =	simm.s32 @!p1 $0x1082;
	[sflag:s4] =	ssyncset.s32 $0xFFFFF086  }
0x25: {  	[simem:s6], [sflag:s4] =	dma.local [hbm:s3], $0xF7A  }
0x26: {  	[smem:$0x3F99] =	sst s1;
	(tag) =	ssettag s2;
	_ =	strace s9  }
0x27: {  	s1 =	sld [smem:$0x3FA9]  }
0x28: {  	s2 =	sld [smem:$0x3FAA]  }
0x29: {  	s4 =	sld [smem:$0x3FAC]  }
0x2a: {  	p0 =	seq.s32 s5, $0x0;
	s5 =	sld [smem:$0x3FAD]  }
0x2b: {  	s6 =	sld [smem:$0x3FAE]  }
0x2c: {  	s7 =	sld [smem:$0x3FAF]  }
0x2d: {  	s3 =	simm.s32 $0x108;
	s8 =	sld [smem:$0x3FB0]  }
0x2e: {  	s3 =	simm.s32 @!p0 $0x1082;
	s9 =	sld [smem:$0x3FB1]  }
0x2f: {  	lr =	sadd.s32 s0, s3;
	s0 =	sld [smem:$0x3FA8]  }
0x30: {  	s3 =	sld [smem:$0x3FAB]  }
0x31: {  	[smem:$0x3FB4] =	sst s10  }
0x32: {  	s10 =	sld [smem:$0x3FB2];
	_ =	sdelay $0x3  }
0x33: {  	p0 =	seq.s32 s10, $0x1;
	s10 =	sld [smem:$0x3FB4];
	_ =	sdelay $0x3  }
0x34: {  	[smem:$0x3FB4] =	sst s10  }
0x35: {  	s10 =	sld [smem:$0x3FB3];
	_ =	sdelay $0x3  }
0x36: {  	p1 =	seq.s32 s10, $0x1;
	s10 =	sld [smem:$0x3FB4];
	_ =	sdelay $0x3  }
0x37: {  	[smem:$0x3FB4] =	sst s10  }
0x38: {  	s10 =	sld [smem:$0x3FB5]  }
0x39: {  	_ = 	snop;
	(pc) =	sbr.ind lr, $3  }
0x3a: {  	_ = 	snop  }
0x3b: {  	_ = 	snop  }
0x3c: {  	p2 =	seq.s32 s10, $0x1;
	s10 =	sld [smem:$0x3FB4]  }
0x3d: {  	_ =	shalt  }
0x3e: {  	_ =	shalt  }
0x3f: {  	_ =	shalt  }
0x40: {  	_ =	shalt  }
0x41: {  	_ =	shalt  }
0x42: {  	_ =	shalt  }
0x43: {  	_ =	shalt  }
0x44: {  	_ =	shalt  }
0x45: {  	_ =	shalt  }
0x46: {  	_ =	shalt  }
0x47: {  	_ =	shalt  }
0x48: {  	_ =	shalt  }
0x49: {  	_ =	shalt  }
0x4a: {  	_ =	shalt  }
0x4b: {  	_ =	shalt  }
0x4c: {  	_ =	shalt  }
0x4d: {  	_ =	shalt  }
0x4e: {  	_ =	shalt  }
0x4f: {  	_ =	shalt  }
0x50: {  	_ =	shalt  }
0x51: {  	_ =	shalt  }
0x52: {  	_ =	shalt  }
0x53: {  	_ =	shalt  }
0x54: {  	_ =	shalt  }
0x55: {  	_ =	shalt  }
0x56: {  	_ =	shalt  }
0x57: {  	_ =	shalt  }
0x58: {  	_ =	shalt  }
0x59: {  	_ =	shalt  }
0x5a: {  	_ =	shalt  }
0x5b: {  	_ =	shalt  }
0x5c: {  	_ =	shalt  }
0x5d: {  	_ =	shalt  }
0x5e: {  	_ =	shalt  }
0x5f: {  	_ =	shalt  }
0x60: {  	_ =	shalt  }
0x61: {  	_ =	shalt  }
0x62: {  	_ =	shalt  }
0x63: {  	_ =	shalt  }
0x64: {  	_ =	shalt  }
0x65: {  	_ =	shalt  }
0x66: {  	_ =	shalt  }
0x67: {  	_ =	shalt  }
0x68: {  	_ =	shalt  }
0x69: {  	_ =	shalt  }
0x6a: {  	_ =	shalt  }
0x6b: {  	_ =	shalt  }
0x6c: {  	_ =	shalt  }
0x6d: {  	_ =	shalt  }
0x6e: {  	_ =	shalt  }
0x6f: {  	_ =	shalt  }
0x70: {  	_ =	shalt  }
0x71: {  	_ =	shalt  }
0x72: {  	_ =	shalt  }
0x73: {  	_ =	shalt  }
0x74: {  	_ =	shalt  }
0x75: {  	_ =	shalt  }
0x76: {  	_ =	shalt  }
0x77: {  	_ =	shalt  }
0x78: {  	_ =	shalt  }
0x79: {  	_ =	shalt  }
0x7a: {  	_ =	shalt  }
0x7b: {  	_ =	shalt  }
0x7c: {  	_ =	shalt  }
0x7d: {  	_ =	shalt  }
0x7e: {  	_ =	shalt  }
0x7f: {  	_ =	shalt  }
0x80: {  	_ =	shalt  }
0x81: {  	_ =	shalt  }
0x82: {  	_ =	shalt  }
0x83: {  	_ =	shalt  }
0x84: {  	_ =	shalt  }
0x85: {  	_ =	shalt  }
0x86: {  	_ =	shalt  }
0x87: {  	_ =	shalt  }
.Lfunc_end0:
.L_simem_size_0:
called_computation.1_lowered:
.L_overlay_start_0:
0x88: {  	s2 =	sld [smem:$0x3FD9]  }
0x89: {  	s3 =	sld [smem:$0x3FFE];
	_ =	sdelay $0x1  }
0x8a: {  	s1 =	srdreg.scid  }
0x8b: {  	s0 =	sand.u32 $0x1, s1  }
0x8c: {  	s14 =	sshll.u32 s0, $0xA;
	s2 =	sadd.s32 s3, s2  }
0x8d: {  	s2 =	sadd.s32 s2, s14  }
0x8e: {  	[smem:$0x3FC0] =	sst s2  }
0x8f: {  	_ = 	snop  }
0x90: {  	s2 =	sld [smem:$0x3FD0];
	_ =	sdelay $0x2  }
0x91: {  	s15 =	simm.s32 $0xA;
	s4 =	simm.s32 $0x10  }
0x92: {  	[smem:s4], [sflag:s15] =	dma.local [hbm:s2], $0x1  }
0x93: {  	_ =	swait.eq [sflag:s15], $0x1  }
0x94: {  	[sflag:s15] =	ssyncset.done $0x0  }
0x95: {  	s16 =	sld [smem:$0x10];
	[sflag:s15] =	ssyncadd.s32 $0xFFFFFFFF  }
0x96: {  	s17 =	sld [smem:$0x11];
	(tm) =	ssettm $0x1  }
0x97: {  	s18 =	sld [smem:$0x3FFB];
	_ =	sdelay $0x3  }
0x98: {  	_ =	strace s18  }
0x99: {  	s4 =	sld [smem:$0x3FFC];
	_ =	sdelay $0x3  }
0x9a: {  	_ =	strace s4  }
0x9b: {  	s4 =	sld [smem:$0x3FFD];
	_ =	sdelay $0x3  }
0x9c: {  	_ =	strace s4  }
0x9d: {  	_ =	strace $0x8FFFFFFF  }
0x9e: {  	s19 =	sld [smem:$0x3FDB];
	_ =	sdelay $0x1  }
0x9f: {  	s5 =	simm.s32 $_scs_section_size  }
0xa0: {  	s6 =	simm.s32 $_size__tile_overlayer_lowered;
	s7 =	simm.s32 $_tile_overlayer_lowered  }
0xa1: {  	s22 =	simm.s32 $0x1BFF;
	s21 =	sshll.u32 s7, $0x1;
	s4 =	sadd.s32 s5, s19  }
0xa2: {  	s8 =	simm.s32 $0x0;
	s20 =	sshll.u32 s6, $0x1;
	s6 =	sadd.s32 s21, s4  }
0xa3: {  	[timem:s8], [sflag:s22] =	dma.local [hbm:s6], s20  }
0xa4: {  	_ =	swait.ge [sflag:s22], s20  }
0xa5: {  	s5 =	ssub.s32 $0x0, s20;
	[sflag:s22] =	ssyncset.done $0x0  }
0xa6: {  	[sflag:s22] =	ssyncadd.s32 s5;
	_ =	sdelay $0x1  }
0xa7: {  	s23 =	simm.s32 $0x1B8B  }
0xa8: {  	_ =	swait.ge [sflag:s23], $0x1  }
0xa9: {  	[sflag:s23] =	ssyncset.done $0x0  }
0xaa: {  	s25 =	simm.s32 $0x1B8E;
	s24 =	sld [smem:$0x3FFE];
	[sflag:s23] =	ssyncadd.s32 $0xFFFFFFFF  }
0xab: {  	s26 =	simm.s32 $execute0_lowered;
	[smem:$0x3FD2] =	sst s25  }
0xac: {  	s6 =	sshll.u32 s26, $0x1;
	_ =	strace $0x80000049;
	[dreg:$0x1] =	wrdreg $0xFFFFFFFF  }
0xad: {  	s28 =	simm.s32 $_size_execute0_lowered;
	s4 =	sadd.s32 s4, s6;
	[dreg:$0x0] =	wrdreg $0x0  }
0xae: {  	s6 =	sshll.u32 s28, $0x1;
	[dreg:$0x2] =	wrdreg s4  }
0xaf: {  	[dreg:$0x3] =	wrdreg s6  }
0xb0: {  	[dreg:$0x4] =	wrdreg $0xC0  }
0xb1: {  	_ =	task [dreg:s8], $0x5FFFF  }
0xb2: {  	[dreg:$0x1] =	wrdreg $0xFFFFFFFF  }
0xb3: {  	[dreg:$0x0] =	wrdreg $0x60  }
0xb4: {  	[dreg:$0x2] =	wrdreg s24  }
0xb5: {  	[dreg:$0x3] =	wrdreg s17  }
0xb6: {  	[dreg:$0x4] =	wrdreg s16  }
0xb7: {  	[dreg:$0x5] =	wrdreg $0xDD000  }
0xb8: {  	[dreg:$0x6] =	wrdreg $0x12D000  }
0xb9: {  	[dreg:$0x7] =	wrdreg $0x9  }
0xba: {  	_ =	task.clear_ibuf [dreg:s8], $0x8FFFF;
	_ =	strace $0x90000049  }
0xbb: {  	s29 =	simm.s32 $0x9;
	_ =	strace $0x8000004B  }
0xbc: {  	_ =	swait.ge [sflag:s29], $0x1  }
0xbd: {  	[sflag:s29] =	ssyncadd.s32 $0xFFFFFFFF  }
0xbe: {  	_ =	strace $0x9000004B  }
0xbf: {  	_ =	sfence  }
0xc0: {  	s30 =	sld [smem:$0x0];
	_ =	sdelay $0x2  }
0xc1: {  	s31 =	sshll.u32 s1, $0xD;
	s1 =	sshrl.u32 s1, $0x2  }
0xc2: {  	s3 =	sand.u32 $0x4000, s31;
	s1 =	sadd.s32 s1, s30  }
0xc3: {  	s0 =	sor.u32 s3, s0;
	s1 =	sshll.u32 s1, $0x11  }
0xc4: {  	s0 =	sor.u32 s1, s0  }
0xc5: {  	s0 =	sadd.s32 $0x8F2B, s0  }
0xc6: {  	[sflag:s0] =	ssyncadd.remote.s32 $0x1  }
0xc7: {  	_ =	sfence.sel $0xFFFF  }
0xc8: {  	[dreg:$0x0] =	wrdreg $0xFFFFFFFF;
	(pc) =	sbr.abs _section_cstart, $3  }
0xc9: {  	[dreg:$0x1] =	wrdreg $0xFFFFFFFF  }
0xca: {  	_ =	task.clear_ibuf [dreg:s8], $0x2FFFF;
	_ =	strace $0x9FFFFFFF  }
0xcb: {  	(tm) =	ssettm $0x7FFFFFFF  }
tec
execute0_lowered:
.L_overlay_start_1:
0x0: {  	(tag) =	ssettag $0x1  }
0x1: {  	s0 =	rddreg [dreg:$0x0]  }
0x2: {  	s1 =	rddreg [dreg:$0x1]  }
0x3: {  	s8 =	rddreg [dreg:$0x2];
	s3 =	srdreg.scid  }
0x4: {  	s13 =	stileid.u32;
	s2 =	rddreg [dreg:$0x3]  }
0x5: {  	s4 =	simm.s32 $0x0;
	s14 =	simm.s32 $0x1;
	s15 =	simm.s32 $0x4  }
0x6: {  	s16 =	simm.s32 $0x8;
	s17 =	simm.s32 $0x9;
	s6 =	smul.u32 $0xA000, s13  }
0x7: {  	s5 =	sand.u32 $0x1, s3;
	s3 =	rddreg [dreg:$0x4];
	s23 =	smul.u32 $0x9C4, s13  }
0x8: {  	[smem:$0x7FF] =	sst s4;
	s9 =	smul.u32 $0x5000, s13;
	s26 =	sshll.u32 s13, $0x6  }
0x9: {  	s7 =	sshll.u32 s5, $0x5;
	_ =	strace $0x8000004A;
	s5 =	ssub.s32 $0x2, s5  }
0xa: {  	s6 =	sor.u32 s7, s6;
	s24 =	sadd.s32 $0x9C4, s23;
	s10 =	sshrl.u32 s5, $0x1  }
0xb: {  	s11 =	sshrl.u32 s23, $0x4;
	s25 =	sadd.s32 s9, s2;
	s28 =	sand.u32 $0xFFF0, s23  }
0xc: {  	s7 =	sor.u32 $0x1C09, s26;
	s9 =	sadd.s32 s9, s3;
	s23 =	simm.s32 $0x0  }
0xd: {  	s6 =	sshrl.u32 s6, $0x3;
	s12 =	ssub.s32 s5, s10;
	s1 =	sadd.s32 s1, s28  }
0xe: {  	s29 =	sadd.s32 s8, s28;
	s31 =	sshrl.u32 s25, $0x3;
	[dreg:$0x6] =	wrdreg s1  }
0xf: {  	s0 =	sadd.s32 s6, s0;
	s6 =	sshrl.u32 s24, $0x4;
	[dreg:$0x7] =	wrdreg s29  }
0x10: {  	s30 =	smax.u32 s12, $0x1;
	[dreg:$0xa] =	wrdreg s31;
	s5 =	ssub.s32 s6, s11  }
0x11: {  	s6 =	sadd.s32 $0x1C00, s0;
	s0 =	sadd.s32 $0x15C00, s0;
	[dreg:$0x9] =	wrdreg s30  }
0x12: {  	s18 =	sshrl.u32 s9, $0x3;
	s10 =	sadd.s32 $0x2, s5;
	[dreg:$0x8] =	wrdreg s0  }
.LBB2_1:
0x13: {  	s0 =	rddreg [dreg:$0xa]  }
0x14: {  	[spmem:s0@s15], [sflag:s7] =	dma.strided [hbm:s6@s16], $0xA00, s14, $0x4   }
0x15: {  	_ =	swait.ge [sflag:s17], $0xA00  }
0x16: {  	[sflag:s17] =	ssyncset.done $0x0  }
0x17: {  	[sflag:s17] =	ssyncadd.s32 $0xFFFFF600  }
0x18: {  	[spmem:s18@s15], [sflag:s7] =	dma.strided [hbm:s6@s16], $0xA00, s14, $0x4   }
0x19: {  	_ =	swait.ge [sflag:s17], $0xA00  }
0x1a: {  	[sflag:s17] =	ssyncset.done $0x0  }
0x1b: {  	s24 =	rddreg [dreg:$0x6];
	[sflag:s17] =	ssyncadd.s32 $0xFFFFF600  }
0x1c: {  	[tilespmem:s4], [sflag:$0x9] =	stream.linear.gather [hbm4b:s24+s4], $0x4E80, $0x38;
	[tilespmem:$0x17D00] =	vst v63  }
0x1d: {  	_ =	swait.ge [sflag:s17], $0x4E80  }
0x1e: {  	[sflag:s17] =	ssyncset.done $0x0  }
0x1f: {  	s1 =	simm.s32 $0x4E80;
	s25 =	rddreg [dreg:$0x7];
	[sflag:s17] =	ssyncadd.s32 $0xFFFFB180  }
0x20: {  	[tilespmem:s1], [sflag:$0x9] =	stream.linear.gather [hbm4b:s25+s4], $0x4E80, $0x38;
	[tilespmem:$0x17D00] =	vst v63  }
0x21: {  	_ =	swait.ge [sflag:s17], $0x4E80  }
0x22: {  	s26 =	simm.s32 $0x80;
	s30 =	simm.s32 $0x9D00;
	[sflag:s17] =	ssyncset.done $0x0  }
0x23: {  	s31 =	simm.s32 $0xAD00;
	p1 =	sle.s32 s5, $0x0;
	[sflag:s17] =	ssyncadd.s32 $0xFFFFB180  }
0x24: {  	p0 =	por $0x1, $0x1;
	p2 =	sle.s32 s5, $0x2;
	[bflag:$0x0] =	sbarrier.arrive $0xFFFF  }
0x25: {  	[tilespmem:s30], [sflag:$0x1] =	stream.indirect.gather [spmem:s2], $0x20, s4, s26, $0xb8;
	[tilespmem:$0x17D00] =	vst v63  }
0x26: {  	s0 =	simm.s32 @!p1 $0x1;
	p3 =	sle.s32 @!p0 s10, $0x0;
	s9 =	simm.s32 @!p2 $0xBD00  }
0x27: {  	[tilespmem:s31], [sflag:$0x2] =	stream.indirect.gather [spmem:s2], $0x20, s26, s26, $0xb8;
	[tilespmem:$0x17D00] =	vst v63  }
0x28: {  	s8 =	simm.s32 @!p1 $0x80;
	p5 =	por p3, p0;
	_ =	swait.ge @!p1 [sflag:s0], $0x1000  }
0x29: {  	p4 =	sle.s32 @!p0 s10, $0x1;
	s11 =	simm.s32 @!p5 $0x7;
	[sflag:s0] =	ssyncset.done @!p1 $0x0  }
0x2a: {  	s1 =	simm.s32 @!p1 $0x9D00;
	[sflag:s0] =	ssyncadd.s32 @!p1 $0xFFFFF000;
	s0 =	simm.s32 @!p1 $0x4E80  }
0x2b: {  	[spmem:s3] =	stream.indirect.scatter.add.f32 @!p1 [tilespmem:s1], [sflag:$0x5], $0x20, s0, s8, $0xb8;
	[tilespmem:$0x17D00] =	vst v63  }
0x2c: {  	s19 =	simm.s32 @!p2 $0x80;
	p3 =	sle.s32 s5, $0x1;
	_ =	swait.ge @!p5 [sflag:s11], $0x1000  }
0x2d: {  	p4 =	por p4, p0;
	p0 =	sle.s32 s5, $0x3;
	[sflag:s11] =	ssyncset.done @!p5 $0x0  }
0x2e: {  	s0 =	simm.s32 @!p2 $0x100;
	s8 =	simm.s32 @!p3 $0x2;
	[sflag:s11] =	ssyncadd.s32 @!p5 $0xFFFFF000  }
0x2f: {  	[tilespmem:s9], [sflag:$0x3] =	stream.indirect.gather @!p2 [spmem:s2], $0x20, s0, s19, $0xb8;
	[tilespmem:$0x17D00] =	vst v63  }
0x30: {  	s21 =	simm.s32 @!p3 $0x80;
	s28 =	simm.s32 @!p0 $0xCD00;
	_ =	swait.ge @!p3 [sflag:s8], $0x1000  }
0x31: {  	s29 =	simm.s32 @!p0 $0x5000;
	s1 =	simm.s32 @!p3 $0x4F00;
	[sflag:s8] =	ssyncset.done @!p3 $0x0  }
0x32: {  	s0 =	simm.s32 @!p4 $0x8;
	[sflag:s8] =	ssyncadd.s32 @!p3 $0xFFFFF000;
	s8 =	simm.s32 @!p3 $0xAD00  }
0x33: {  	[spmem:s3] =	stream.indirect.scatter.add.f32 @!p3 [tilespmem:s8], [sflag:$0x6], $0x20, s1, s21, $0xb8;
	[tilespmem:$0x17D00] =	vst v63  }
0x34: {  	s22 =	simm.s32 @!p0 $0x4;
	s24 =	simm.s32 $0x800;
	_ =	swait.ge @!p4 [sflag:s0], $0x1000  }
0x35: {  	s25 =	simm.s32 $0x4;
	s11 =	simm.s32 @!p0 $0x180;
	[sflag:s0] =	ssyncset.done @!p4 $0x0  }
0x36: {  	s1 =	simm.s32 @!p0 $0x80;
	[sflag:s0] =	ssyncadd.s32 @!p4 $0xFFFFF000;
	s0 =	simm.s32 @!p2 $0x3  }
0x37: {  	[tilespmem:s28], [sflag:$0x4] =	stream.indirect.gather @!p0 [spmem:s2], $0x20, s11, s1, $0xb8;
	[tilespmem:$0x17D00] =	vst v63  }
0x38: {  	s26 =	simm.s32 @!p2 $0x4F80;
	p5 =	sle.s32 s10, $0x3;
	_ =	swait.ge @!p2 [sflag:s0], $0x1000  }
0x39: {  	s21 =	simm.s32 @!p1 $0x5;
	p4 =	sle.s32 s5, $0x4;
	[sflag:s0] =	ssyncset.done @!p2 $0x0  }
0x3a: {  	s8 =	simm.s32 @!p4 $0x200;
	s11 =	simm.s32 @!p4 $0x9D00;
	[sflag:s0] =	ssyncadd.s32 @!p2 $0xFFFFF000  }
0x3b: {  	[spmem:s3] =	stream.indirect.scatter.add.f32 @!p2 [tilespmem:s9], [sflag:$0x7], $0x20, s26, s19, $0xb8;
	[tilespmem:$0x17D00] =	vst v63  }
0x3c: {  	s0 =	simm.s32 $0x5;
	p2 =	por p1, p1;
	_ =	swait.ge @!p1 [sflag:s21], $0x1000  }
0x3d: {  	s19 =	simm.s32 @!p5 $0x6;
	s9 =	simm.s32 $0x0;
	[sflag:s21] =	ssyncset.done @!p2 $0x0  }
.LBB2_2:
0x3e: {  	s12 =	simm.s32 @!p5 $0x0;
	s30 =	sadd.s32 $0x3, s25;
	s31 =	smov.u32 s24  }
0x3f: {  	s26 =	smov.u32 s25;
	p1 =	sge.s32 s25, s5;
	p3 =	seq.s32 s24, $0x0  }
0x40: {  	[sflag:s21] =	ssyncadd.s32 @!p2 $0xFFFFF000;
	s21 =	sadd.s32 $0x1, s25;
	s12 =	simm.s32 @p5 $0x1  }
0x41: {  	p5 =	sge.s32 s0, s5;
	s0 =	sadd.s32 $0x2, s25;
	s13 =	simm.s32 @!p1 $0x1  }
0x42: {  	s20 =	sshra.s32 @!p1 s24, $0x2;
	[smem:$0x7FB] =	sst s12;
	s12 =	simm.s32 @!p4 $0x80  }
0x43: {  	[tilespmem:s11], [sflag:$0x1] =	stream.indirect.gather @!p4 [spmem:s2], $0x20, s8, s12, $0xb8;
	[tilespmem:$0x17D00] =	vst v63  }
0x44: {  	p6 =	por p3, p3;
	p3 =	sge.s32 @!p3 s25, s10;
	_ =	swait.ge @!p0 [sflag:s22], $0x1000  }
0x45: {  	s9 =	sshra.s32 @!p5 s9, $0x2;
	p3 =	por p3, p6;
	[sflag:s22] =	ssyncset.done @!p0 $0x0  }
0x46: {  	s12 =	simm.s32 @!p3 $0x0;
	[sflag:s22] =	ssyncadd.s32 @!p0 $0xFFFFF000;
	s22 =	sld [smem:$0x7FB]  }
0x47: {  	s11 =	simm.s32 @!p5 $0x80;
	s12 =	simm.s32 @p3 $0x1;
	p3 =	por p6, p6  }
0x48: {  	[spmem:s3] =	stream.indirect.scatter.add.f32 @!p0 [tilespmem:s28], [sflag:$0x8], $0x20, s29, s1, $0xb8;
	[tilespmem:$0x17D00] =	vst v63  }
0x49: {  	[smem:$0x7FD] =	sst s12;
	p6 =	sge.s32 @!p3 s21, s10;
	p0 =	seq.s32 s22, $0x1  }
0x4a: {  	p4 =	sge.s32 s21, s5;
	s21 =	simm.s32 @!p6 $0x0;
	_ =	swait.ge @!p0 [sflag:s19], $0x1000  }
0x4b: {  	s9 =	sadd.s32 @!p5 $0x280, s9;
	s21 =	simm.s32 @p6 $0x1;
	[sflag:s19] =	ssyncset.done @!p0 $0x0  }
0x4c: {  	s12 =	simm.s32 @!p5 $0xAD00;
	[smem:$0x7FC] =	sst s21;
	[sflag:s19] =	ssyncadd.s32 @!p0 $0xFFFFF000  }
0x4d: {  	[tilespmem:s12], [sflag:$0x2] =	stream.indirect.gather @!p5 [spmem:s2], $0x20, s9, s11, $0xb8;
	[tilespmem:$0x17D00] =	vst v63  }
0x4e: {  	p2 =	sge.s32 s0, s5;
	s8 =	simm.s32 @!p1 $0x9D00;
	_ =	swait.ge @!p1 [sflag:s13], $0x1000  }
0x4f: {  	s1 =	simm.s32 @!p1 $0x80;
	s19 =	sld [smem:$0x7FC];
	[sflag:s13] =	ssyncset.done @!p1 $0x0  }
0x50: {  	s12 =	sadd.s32 @!p1 $0x4E80, s20;
	s21 =	sld [smem:$0x7FD];
	[sflag:s13] =	ssyncadd.s32 @!p1 $0xFFFFF000  }
0x51: {  	[spmem:s3] =	stream.indirect.scatter.add.f32 @!p1 [tilespmem:s8], [sflag:$0x5], $0x20, s12, s1, $0xb8;
	[tilespmem:$0x17D00] =	vst v63  }
0x52: {  	s25 =	sadd.s32 $0x4, s25;
	s0 =	simm.s32 @!p2 $0xBD00;
	p6 =	seq.s32 s19, $0x1  }
0x53: {  	s22 =	sshra.s32 @!p2 s24, $0x2;
	p5 =	por p6, p3;
	p3 =	seq.s32 s21, $0x1  }
0x54: {  	s28 =	sadd.s32 @!p2 $0x100, s22;
	p0 =	sge.s32 s30, s5;
	s11 =	simm.s32 @!p3 $0x7  }
0x55: {  	s9 =	sshra.s32 @!p4 s24, $0x2;
	s24 =	sadd.s32 $0x800, s24;
	_ =	swait.ge @!p3 [sflag:s11], $0x1000  }
0x56: {  	s20 =	sadd.s32 @!p2 $0x4F80, s22;
	s22 =	simm.s32 @!p0 $0x4;
	[sflag:s11] =	ssyncset.done @!p3 $0x0  }
0x57: {  	s13 =	simm.s32 @!p2 $0x80;
	[sflag:s11] =	ssyncadd.s32 @!p3 $0xFFFFF000;
	s11 =	simm.s32 @!p4 $0x2  }
0x58: {  	[tilespmem:s0], [sflag:$0x3] =	stream.indirect.gather @!p2 [spmem:s2], $0x20, s28, s13, $0xb8;
	[tilespmem:$0x17D00] =	vst v63  }
0x59: {  	s9 =	sadd.s32 @!p4 $0x4F00, s9;
	s1 =	sshra.s32 @!p0 s31, $0x2;
	_ =	swait.ge @!p4 [sflag:s11], $0x1000  }
0x5a: {  	s12 =	sadd.s32 @!p0 $0x180, s1;
	s19 =	simm.s32 @!p4 $0x80;
	[sflag:s11] =	ssyncset.done @!p4 $0x0  }
0x5b: {  	s8 =	simm.s32 @!p5 $0x8;
	[sflag:s11] =	ssyncadd.s32 @!p4 $0xFFFFF000;
	s11 =	simm.s32 @!p4 $0xAD00  }
0x5c: {  	[spmem:s3] =	stream.indirect.scatter.add.f32 @!p4 [tilespmem:s11], [sflag:$0x6], $0x20, s9, s19, $0xb8;
	[tilespmem:$0x17D00] =	vst v63  }
0x5d: {  	s29 =	sadd.s32 @!p0 $0x5000, s1;
	s1 =	simm.s32 @!p0 $0x80;
	_ =	swait.ge @!p5 [sflag:s8], $0x1000  }
0x5e: {  	s21 =	simm.s32 @!p1 $0x5;
	s28 =	simm.s32 @!p0 $0xCD00;
	[sflag:s8] =	ssyncset.done @!p5 $0x0  }
0x5f: {  	p4 =	sge.s32 s25, s5;
	s9 =	simm.s32 @!p2 $0x3;
	[sflag:s8] =	ssyncadd.s32 @!p5 $0xFFFFF000  }
0x60: {  	[tilespmem:s28], [sflag:$0x4] =	stream.indirect.gather @!p0 [spmem:s2], $0x20, s12, s1, $0xb8;
	[tilespmem:$0x17D00] =	vst v63  }
0x61: {  	p3 =	sne.s32 s24, $0x14000;
	s11 =	simm.s32 @!p4 $0x9D00;
	_ =	swait.ge @!p2 [sflag:s9], $0x1000  }
.Ltmp0:
0x62: {  	s8 =	sshra.s32 @!p4 s31, $0x2;
	[sflag:s9] =	ssyncset.done @!p2 $0x0;
	(pc) =	sbr.rel @p3 .LBB2_2-.Ltmp0, $4  }
0x63: {  	p5 =	sge.s32 s30, s10;
	s8 =	sadd.s32 @!p4 $0x200, s8;
	[sflag:s9] =	ssyncadd.s32 @!p2 $0xFFFFF000  }
0x64: {  	[spmem:s3] =	stream.indirect.scatter.add.f32 @!p2 [tilespmem:s0], [sflag:$0x7], $0x20, s20, s13, $0xb8;
	[tilespmem:$0x17D00] =	vst v63  }
0x65: {  	s19 =	simm.s32 @!p5 $0x6;
	p2 =	por p1, p1;
	_ =	swait.ge @!p1 [sflag:s21], $0x1000  }
0x66: {  	s9 =	smov.u32 s31;
	s0 =	sadd.s32 $0x5, s26;
	[sflag:s21] =	ssyncset.done @!p2 $0x0  }
0x67: {  	s12 =	simm.s32 @!p4 $0x80;
	[sflag:s21] =	ssyncadd.s32 @!p2 $0xFFFFF000  }
0x68: {  	[tilespmem:s11], [sflag:$0x1] =	stream.indirect.gather @!p4 [spmem:s2], $0x20, s8, s12, $0xb8;
	[tilespmem:$0x17D00] =	vst v63  }
0x69: {  	_ =	swait.ge @!p0 [sflag:s22], $0x1000  }
0x6a: {  	[sflag:s22] =	ssyncset.done @!p0 $0x0  }
0x6b: {  	[sflag:s22] =	ssyncadd.s32 @!p0 $0xFFFFF000  }
0x6c: {  	[spmem:s3] =	stream.indirect.scatter.add.f32 @!p0 [tilespmem:s28], [sflag:$0x8], $0x20, s29, s1, $0xb8;
	[tilespmem:$0x17D00] =	vst v63  }
0x6d: {  	p0 =	sge.s32 s0, s5;
	_ =	swait.ge @!p5 [sflag:s19], $0x1000  }
0x6e: {  	s0 =	sshra.s32 @!p0 s9, $0x2;
	s1 =	simm.s32 @!p0 $0x80;
	[sflag:s19] =	ssyncset.done @!p5 $0x0  }
0x6f: {  	s8 =	simm.s32 @!p0 $0xAD00;
	s0 =	sadd.s32 @!p0 $0x280, s0;
	[sflag:s19] =	ssyncadd.s32 @!p5 $0xFFFFF000  }
0x70: {  	[tilespmem:s8], [sflag:$0x2] =	stream.indirect.gather @!p0 [spmem:s2], $0x20, s0, s1, $0xb8;
	[tilespmem:$0x17D00] =	vst v63  }
0x71: {  	[bflag:$0x0] =	sbarrier.arrive $0xFFFF  }
0x72: {  	s30 =	rddreg [dreg:$0x8]  }
0x73: {  	[hbm:s30@s16], [sflag:s7] =	dma.strided [spmem:s18@s15], $0xA00, s14, $0x4   }
0x74: {  	_ =	swait.ge [sflag:s17], $0xA00  }
0x75: {  	s23 =	sadd.s32 $0x1, s23;
	s31 =	rddreg [dreg:$0x9]  }
0x76: {  	p0 =	sne.s32 s23, s31  }
.Ltmp1:
0x77: {  	_ = 	snop;
	(pc) =	sbr.rel @p0 .LBB2_1-.Ltmp1, $3  }
0x78: {  	_ =	sdelay $0x1  }
0x79: {  	[sflag:s17] =	ssyncset.done $0x0  }
0x7a: {  	[sflag:s17] =	ssyncadd.s32 $0xFFFFF600  }
0x7b: {  	_ =	sfence.sel $0x180000  }
0x7c: {  	[bflag:$0x0] =	sbarrier.arrive $0xFFFF  }
0x7d: {  	_ =	strace $0x9000004A  }
0x7e: {  	s0 =	stileid.u32;
	[bflag:$0x2] =	sbarrier.arrive $0xFFFF  }
0x7f: {  	p0 =	sne.s32 s0, $0x0;
	s0 =	rddreg [dreg:$0x5]  }
0x80: {  	s0 =	sadd.s32 @!p0 $0x100000, s0  }
0x81: {  	[sflag:s0] =	ssyncadd.tile.s32 @!p0 $0x1;
	_ =	shalt  }
.Lfunc_end2:
_tile_overlayer_lowered:
.L_overlay_start_2:
0x82: {  	(tag) =	ssettag $0x2  }
0x83: {  	s0 =	rddreg [dreg:$0x0];
	s2 =	stileid.u32  }
0x84: {  	s1 =	rddreg [dreg:$0x1];
	p0 =	sne.s32 s2, $0x0  }
0x85: {  	s3 =	rddreg [dreg:$0x2];
	[bflag:$0x3] =	sbarrier.arrive $0xFFFF;
	s2 =	simm.s32 @!p0 $0x1C09  }
0x86: {  	[timem:s3], [sflag:s2] =	dma.local @!p0 [hbm:s0], s1  }
0x87: {  	s0 =	simm.s32 @!p0 $0x9  }
0x88: {  	_ =	swait.ge @!p0 [sflag:s0], s1  }
0x89: {  	s1 =	ssub.s32 @!p0 $0x0, s1;
	[sflag:s0] =	ssyncset.done @!p0 $0x0  }
0x8a: {  	[sflag:s0] =	ssyncadd.s32 @!p0 s1  }
0x8b: {  	[bflag:$0x3] =	sbarrier.arrive $0xFFFF  }
0x8c: {  	_ =	shalt  }

// kernel: kernel.14.cloned.1.call-start
scs
__scs_entry_jumppad:
0x0: {  	(pc) =	sbr.rel $0x88, $3  }
0x1: {  	(tag) =	ssettag $0x0;
	lr =	simm.s32 $0x1  }
0x2: {  	[smem:$0x3F99] =	sst lr;
	_ =	strace $0xD0000000  }
0x3: {  	_ = 	snop  }
0x4: {  	_ = 	snop  }
0x5: {  	_ = 	snop  }
0x6: {  	_ = 	snop  }
0x7: {  	_ = 	snop  }
__scs_overlays_trampoline_lowered:
0x8: {  	[smem:$0x3FA8] =	sst s0  }
0x9: {  	[smem:$0x3FA9] =	sst s1  }
0xa: {  	[smem:$0x3FAA] =	sst s2  }
0xb: {  	[smem:$0x3FAB] =	sst s3  }
0xc: {  	[smem:$0x3FAC] =	sst s4  }
0xd: {  	[smem:$0x3FAD] =	sst s5  }
0xe: {  	[smem:$0x3FAE] =	sst s6  }
0xf: {  	[smem:$0x3FAF] =	sst s7  }
0x10: {  	[smem:$0x3FB0] =	sst s8  }
0x11: {  	[smem:$0x3FB1] =	sst s9;
	s0 =	simm.s32 @!p0 $0x0  }
0x12: {  	s1 =	sld [smem:$0x3F97];
	s0 =	simm.s32 @p0 $0x1  }
0x13: {  	[smem:$0x3FB2] =	sst s0;
	s0 =	simm.s32 @!p1 $0x0  }
0x14: {  	s2 =	sld [smem:$0x3F96];
	s0 =	simm.s32 @p1 $0x1  }
0x15: {  	[smem:$0x3FB3] =	sst s0;
	s0 =	simm.s32 @!p2 $0x0  }
0x16: {  	s3 =	sld [smem:$0x3FDB];
	s0 =	simm.s32 @p2 $0x1  }
0x17: {  	s4 =	simm.s32 $0x1BF5;
	[smem:$0x3FB5] =	sst s0  }
0x18: {  	s0 =	sld [smem:$0x3F98];
	_ =	swait.ge [sflag:s4], $0x0  }
0x19: {  	s7 =	sld [smem:$0x3F99]  }
0x1a: {  	s8 =	sadd.s32 $0xFFFFE003, lr  }
0x1b: {  	s9 =	sadd.s32 $0xFFFFFEF7, lr;
	s5 =	simm.s32 $0xFFFFFFFF;
	p2 =	slt.u32 s8, $0xFFFFF086  }
0x1c: {  	p1 =	slt.u32 s9, $0xF7A;
	s5 =	simm.s32 @!p2 $0x0  }
0x1d: {  	s5 =	simm.s32 @p1 $0x1;
	p0 =	seq.s32 s7, s2  }
0x1e: {  	s7 =	smul.u32 @!p0 $0xF7A, s2;
	p2 =	seq.s32 @!p0 s5, $0x0  }
0x1f: {  	s9 =	smul.u32 $0xF7A, s1;
	s8 =	simm.s32 @!p0 $0x1BF5;
	p2 =	por !p2, p0  }
0x20: {  	[sflag:s8] =	ssyncset.s32 @!p0 $0xFFFFF086;
	s6 =	sadd.s32 @!p0 s3, s7;
	s7 =	simm.s32 @!p0 $0x108  }
0x21: {  	s3 =	sadd.s32 s3, s9;
	s6 =	sadd.s32 @!p0 $0x88, s6;
	s7 =	simm.s32 @p2 $0x1082  }
0x22: {  	[simem:s7], [sflag:s8] =	dma.local @!p0 [hbm:s6], $0xF7A  }
0x23: {  	s9 =	sor.u32 $0xD0000000, s2;
	s6 =	simm.s32 $0x108;
	_ =	swait.ge @!p0 [sflag:s8], $0x0  }
0x24: {  	s3 =	sadd.s32 $0x88, s3;
	s6 =	simm.s32 @!p1 $0x1082;
	[sflag:s4] =	ssyncset.s32 $0xFFFFF086  }
0x25: {  	[simem:s6], [sflag:s4] =	dma.local [hbm:s3], $0xF7A  }
0x26: {  	[smem:$0x3F99] =	sst s1;
	(tag) =	ssettag s2;
	_ =	strace s9  }
0x27: {  	s1 =	sld [smem:$0x3FA9]  }
0x28: {  	s2 =	sld [smem:$0x3FAA]  }
0x29: {  	s4 =	sld [smem:$0x3FAC]  }
0x2a: {  	p0 =	seq.s32 s5, $0x0;
	s5 =	sld [smem:$0x3FAD]  }
0x2b: {  	s6 =	sld [smem:$0x3FAE]  }
0x2c: {  	s7 =	sld [smem:$0x3FAF]  }
0x2d: {  	s3 =	simm.s32 $0x108;
	s8 =	sld [smem:$0x3FB0]  }
0x2e: {  	s3 =	simm.s32 @!p0 $0x1082;
	s9 =	sld [smem:$0x3FB1]  }
0x2f: {  	lr =	sadd.s32 s0, s3;
	s0 =	sld [smem:$0x3FA8]  }
0x30: {  	s3 =	sld [smem:$0x3FAB]  }
0x31: {  	[smem:$0x3FB4] =	sst s10  }
0x32: {  	s10 =	sld [smem:$0x3FB2];
	_ =	sdelay $0x3  }
0x33: {  	p0 =	seq.s32 s10, $0x1;
	s10 =	sld [smem:$0x3FB4];
	_ =	sdelay $0x3  }
0x34: {  	[smem:$0x3FB4] =	sst s10  }
0x35: {  	s10 =	sld [smem:$0x3FB3];
	_ =	sdelay $0x3  }
0x36: {  	p1 =	seq.s32 s10, $0x1;
	s10 =	sld [smem:$0x3FB4];
	_ =	sdelay $0x3  }
0x37: {  	[smem:$0x3FB4] =	sst s10  }
0x38: {  	s10 =	sld [smem:$0x3FB5]  }
0x39: {  	_ = 	snop;
	(pc) =	sbr.ind lr, $3  }
0x3a: {  	_ = 	snop  }
0x3b: {  	_ = 	snop  }
0x3c: {  	p2 =	seq.s32 s10, $0x1;
	s10 =	sld [smem:$0x3FB4]  }
0x3d: {  	_ =	shalt  }
0x3e: {  	_ =	shalt  }
0x3f: {  	_ =	shalt  }
0x40: {  	_ =	shalt  }
0x41: {  	_ =	shalt  }
0x42: {  	_ =	shalt  }
0x43: {  	_ =	shalt  }
0x44: {  	_ =	shalt  }
0x45: {  	_ =	shalt  }
0x46: {  	_ =	shalt  }
0x47: {  	_ =	shalt  }
0x48: {  	_ =	shalt  }
0x49: {  	_ =	shalt  }
0x4a: {  	_ =	shalt  }
0x4b: {  	_ =	shalt  }
0x4c: {  	_ =	shalt  }
0x4d: {  	_ =	shalt  }
0x4e: {  	_ =	shalt  }
0x4f: {  	_ =	shalt  }
0x50: {  	_ =	shalt  }
0x51: {  	_ =	shalt  }
0x52: {  	_ =	shalt  }
0x53: {  	_ =	shalt  }
0x54: {  	_ =	shalt  }
0x55: {  	_ =	shalt  }
0x56: {  	_ =	shalt  }
0x57: {  	_ =	shalt  }
0x58: {  	_ =	shalt  }
0x59: {  	_ =	shalt  }
0x5a: {  	_ =	shalt  }
0x5b: {  	_ =	shalt  }
0x5c: {  	_ =	shalt  }
0x5d: {  	_ =	shalt  }
0x5e: {  	_ =	shalt  }
0x5f: {  	_ =	shalt  }
0x60: {  	_ =	shalt  }
0x61: {  	_ =	shalt  }
0x62: {  	_ =	shalt  }
0x63: {  	_ =	shalt  }
0x64: {  	_ =	shalt  }
0x65: {  	_ =	shalt  }
0x66: {  	_ =	shalt  }
0x67: {  	_ =	shalt  }
0x68: {  	_ =	shalt  }
0x69: {  	_ =	shalt  }
0x6a: {  	_ =	shalt  }
0x6b: {  	_ =	shalt  }
0x6c: {  	_ =	shalt  }
0x6d: {  	_ =	shalt  }
0x6e: {  	_ =	shalt  }
0x6f: {  	_ =	shalt  }
0x70: {  	_ =	shalt  }
0x71: {  	_ =	shalt  }
0x72: {  	_ =	shalt  }
0x73: {  	_ =	shalt  }
0x74: {  	_ =	shalt  }
0x75: {  	_ =	shalt  }
0x76: {  	_ =	shalt  }
0x77: {  	_ =	shalt  }
0x78: {  	_ =	shalt  }
0x79: {  	_ =	shalt  }
0x7a: {  	_ =	shalt  }
0x7b: {  	_ =	shalt  }
0x7c: {  	_ =	shalt  }
0x7d: {  	_ =	shalt  }
0x7e: {  	_ =	shalt  }
0x7f: {  	_ =	shalt  }
0x80: {  	_ =	shalt  }
0x81: {  	_ =	shalt  }
0x82: {  	_ =	shalt  }
0x83: {  	_ =	shalt  }
0x84: {  	_ =	shalt  }
0x85: {  	_ =	shalt  }
0x86: {  	_ =	shalt  }
0x87: {  	_ =	shalt  }
.Lfunc_end0:
.L_simem_size_0:
called_computation.2_lowered:
.L_overlay_start_0:
0x88: {  	s2 =	sld [smem:$0x3FD9]  }
0x89: {  	s3 =	sld [smem:$0x3FFE];
	_ =	sdelay $0x1  }
0x8a: {  	s1 =	srdreg.scid  }
0x8b: {  	s0 =	sand.u32 $0x1, s1  }
0x8c: {  	s14 =	sshll.u32 s0, $0xA;
	s2 =	sadd.s32 s3, s2  }
0x8d: {  	s2 =	sadd.s32 s2, s14  }
0x8e: {  	[smem:$0x3FC0] =	sst s2  }
0x8f: {  	_ = 	snop  }
0x90: {  	s2 =	sld [smem:$0x3FD0];
	_ =	sdelay $0x2  }
0x91: {  	s15 =	simm.s32 $0xA;
	s4 =	simm.s32 $0x10  }
0x92: {  	[smem:s4], [sflag:s15] =	dma.local [hbm:s2], $0x1  }
0x93: {  	_ =	swait.eq [sflag:s15], $0x1  }
0x94: {  	[sflag:s15] =	ssyncset.done $0x0  }
0x95: {  	s16 =	sld [smem:$0x10];
	[sflag:s15] =	ssyncadd.s32 $0xFFFFFFFF  }
0x96: {  	s17 =	sld [smem:$0x11];
	(tm) =	ssettm $0x1  }
0x97: {  	s18 =	sld [smem:$0x3FFB];
	_ =	sdelay $0x3  }
0x98: {  	_ =	strace s18  }
0x99: {  	s4 =	sld [smem:$0x3FFC];
	_ =	sdelay $0x3  }
0x9a: {  	_ =	strace s4  }
0x9b: {  	s4 =	sld [smem:$0x3FFD];
	_ =	sdelay $0x3  }
0x9c: {  	_ =	strace s4  }
0x9d: {  	_ =	strace $0x8FFFFFFF  }
0x9e: {  	s19 =	sld [smem:$0x3FDB];
	_ =	sdelay $0x1  }
0x9f: {  	s5 =	simm.s32 $_scs_section_size  }
0xa0: {  	s6 =	simm.s32 $_size__tile_overlayer_lowered;
	s7 =	simm.s32 $_tile_overlayer_lowered  }
0xa1: {  	s22 =	simm.s32 $0x1BFF;
	s21 =	sshll.u32 s7, $0x1;
	s4 =	sadd.s32 s5, s19  }
0xa2: {  	s8 =	simm.s32 $0x0;
	s20 =	sshll.u32 s6, $0x1;
	s6 =	sadd.s32 s21, s4  }
0xa3: {  	[timem:s8], [sflag:s22] =	dma.local [hbm:s6], s20  }
0xa4: {  	_ =	swait.ge [sflag:s22], s20  }
0xa5: {  	s5 =	ssub.s32 $0x0, s20;
	[sflag:s22] =	ssyncset.done $0x0  }
0xa6: {  	[sflag:s22] =	ssyncadd.s32 s5;
	_ =	sdelay $0x1  }
0xa7: {  	s23 =	simm.s32 $0x1B8B  }
0xa8: {  	_ =	swait.ge [sflag:s23], $0x1  }
0xa9: {  	[sflag:s23] =	ssyncset.done $0x0  }
0xaa: {  	s25 =	simm.s32 $0x1B8E;
	s24 =	sld [smem:$0x3FFE];
	[sflag:s23] =	ssyncadd.s32 $0xFFFFFFFF  }
0xab: {  	s26 =	simm.s32 $execute0_lowered;
	[smem:$0x3FD2] =	sst s25  }
0xac: {  	s6 =	sshll.u32 s26, $0x1;
	_ =	strace $0x8000004C;
	[dreg:$0x1] =	wrdreg $0xFFFFFFFF  }
0xad: {  	s28 =	simm.s32 $_size_execute0_lowered;
	s4 =	sadd.s32 s4, s6;
	[dreg:$0x0] =	wrdreg $0x0  }
0xae: {  	s6 =	sshll.u32 s28, $0x1;
	[dreg:$0x2] =	wrdreg s4  }
0xaf: {  	[dreg:$0x3] =	wrdreg s6  }
0xb0: {  	[dreg:$0x4] =	wrdreg $0xC0  }
0xb1: {  	_ =	task [dreg:s8], $0x5FFFF  }
0xb2: {  	[dreg:$0x1] =	wrdreg $0xFFFFFFFF  }
0xb3: {  	[dreg:$0x0] =	wrdreg $0x60  }
0xb4: {  	[dreg:$0x2] =	wrdreg s24  }
0xb5: {  	[dreg:$0x3] =	wrdreg s17  }
0xb6: {  	[dreg:$0x4] =	wrdreg s16  }
0xb7: {  	[dreg:$0x5] =	wrdreg $0xDD000  }
0xb8: {  	[dreg:$0x6] =	wrdreg $0x12D000  }
0xb9: {  	[dreg:$0x7] =	wrdreg $0x9  }
0xba: {  	_ =	task.clear_ibuf [dreg:s8], $0x8FFFF;
	_ =	strace $0x9000004C  }
0xbb: {  	s29 =	simm.s32 $0x9;
	_ =	strace $0x8000004E  }
0xbc: {  	_ =	swait.ge [sflag:s29], $0x1  }
0xbd: {  	[sflag:s29] =	ssyncadd.s32 $0xFFFFFFFF  }
0xbe: {  	_ =	strace $0x9000004E  }
0xbf: {  	_ =	sfence  }
0xc0: {  	s30 =	sld [smem:$0x0];
	_ =	sdelay $0x2  }
0xc1: {  	s31 =	sshll.u32 s1, $0xD;
	s1 =	sshrl.u32 s1, $0x2  }
0xc2: {  	s3 =	sand.u32 $0x4000, s31;
	s1 =	sadd.s32 s1, s30  }
0xc3: {  	s0 =	sor.u32 s3, s0;
	s1 =	sshll.u32 s1, $0x11  }
0xc4: {  	s0 =	sor.u32 s1, s0  }
0xc5: {  	s0 =	sadd.s32 $0x8F2B, s0  }
0xc6: {  	[sflag:s0] =	ssyncadd.remote.s32 $0x1  }
0xc7: {  	_ =	sfence.sel $0xFFFF  }
0xc8: {  	[dreg:$0x0] =	wrdreg $0xFFFFFFFF;
	(pc) =	sbr.abs _section_cstart, $3  }
0xc9: {  	[dreg:$0x1] =	wrdreg $0xFFFFFFFF  }
0xca: {  	_ =	task.clear_ibuf [dreg:s8], $0x2FFFF;
	_ =	strace $0x9FFFFFFF  }
0xcb: {  	(tm) =	ssettm $0x7FFFFFFF  }
tec
execute0_lowered:
.L_overlay_start_1:
0x0: {  	(tag) =	ssettag $0x1  }
0x1: {  	s0 =	rddreg [dreg:$0x0]  }
0x2: {  	s1 =	rddreg [dreg:$0x1]  }
0x3: {  	s8 =	rddreg [dreg:$0x2];
	s3 =	srdreg.scid  }
0x4: {  	s13 =	stileid.u32;
	s2 =	rddreg [dreg:$0x3]  }
0x5: {  	s4 =	simm.s32 $0x0;
	s14 =	simm.s32 $0x1;
	s15 =	simm.s32 $0x4  }
0x6: {  	s16 =	simm.s32 $0x8;
	s17 =	simm.s32 $0x9;
	s6 =	smul.u32 $0xA000, s13  }
0x7: {  	s5 =	sand.u32 $0x1, s3;
	s3 =	rddreg [dreg:$0x4];
	s23 =	smul.u32 $0x9C4, s13  }
0x8: {  	[smem:$0x7FF] =	sst s4;
	s9 =	smul.u32 $0x5000, s13;
	s26 =	sshll.u32 s13, $0x6  }
0x9: {  	s7 =	sshll.u32 s5, $0x5;
	_ =	strace $0x8000004D;
	s5 =	ssub.s32 $0x2, s5  }
0xa: {  	s6 =	sor.u32 s7, s6;
	s24 =	sadd.s32 $0x9C4, s23;
	s10 =	sshrl.u32 s5, $0x1  }
0xb: {  	s11 =	sshrl.u32 s23, $0x4;
	s25 =	sadd.s32 s9, s2;
	s28 =	sand.u32 $0xFFF0, s23  }
0xc: {  	s7 =	sor.u32 $0x1C09, s26;
	s9 =	sadd.s32 s9, s3;
	s23 =	simm.s32 $0x0  }
0xd: {  	s6 =	sshrl.u32 s6, $0x3;
	s12 =	ssub.s32 s5, s10;
	s1 =	sadd.s32 s1, s28  }
0xe: {  	s29 =	sadd.s32 s8, s28;
	s31 =	sshrl.u32 s25, $0x3;
	[dreg:$0x6] =	wrdreg s1  }
0xf: {  	s0 =	sadd.s32 s6, s0;
	s6 =	sshrl.u32 s24, $0x4;
	[dreg:$0x7] =	wrdreg s29  }
0x10: {  	s30 =	smax.u32 s12, $0x1;
	[dreg:$0xa] =	wrdreg s31;
	s5 =	ssub.s32 s6, s11  }
0x11: {  	s6 =	sadd.s32 $0x1C00, s0;
	s0 =	sadd.s32 $0x15C00, s0;
	[dreg:$0x9] =	wrdreg s30  }
0x12: {  	s18 =	sshrl.u32 s9, $0x3;
	s10 =	sadd.s32 $0x2, s5;
	[dreg:$0x8] =	wrdreg s0  }
.LBB2_1:
0x13: {  	s0 =	rddreg [dreg:$0xa]  }
0x14: {  	[spmem:s0@s15], [sflag:s7] =	dma.strided [hbm:s6@s16], $0xA00, s14, $0x4   }
0x15: {  	_ =	swait.ge [sflag:s17], $0xA00  }
0x16: {  	[sflag:s17] =	ssyncset.done $0x0  }
0x17: {  	[sflag:s17] =	ssyncadd.s32 $0xFFFFF600  }
0x18: {  	[spmem:s18@s15], [sflag:s7] =	dma.strided [hbm:s6@s16], $0xA00, s14, $0x4   }
0x19: {  	_ =	swait.ge [sflag:s17], $0xA00  }
0x1a: {  	[sflag:s17] =	ssyncset.done $0x0  }
0x1b: {  	s24 =	rddreg [dreg:$0x6];
	[sflag:s17] =	ssyncadd.s32 $0xFFFFF600  }
0x1c: {  	[tilespmem:s4], [sflag:$0x9] =	stream.linear.gather [hbm4b:s24+s4], $0x4E80, $0x38;
	[tilespmem:$0x17D00] =	vst v63  }
0x1d: {  	_ =	swait.ge [sflag:s17], $0x4E80  }
0x1e: {  	[sflag:s17] =	ssyncset.done $0x0  }
0x1f: {  	s1 =	simm.s32 $0x4E80;
	s25 =	rddreg [dreg:$0x7];
	[sflag:s17] =	ssyncadd.s32 $0xFFFFB180  }
0x20: {  	[tilespmem:s1], [sflag:$0x9] =	stream.linear.gather [hbm4b:s25+s4], $0x4E80, $0x38;
	[tilespmem:$0x17D00] =	vst v63  }
0x21: {  	_ =	swait.ge [sflag:s17], $0x4E80  }
0x22: {  	s26 =	simm.s32 $0x80;
	s30 =	simm.s32 $0x9D00;
	[sflag:s17] =	ssyncset.done $0x0  }
0x23: {  	s31 =	simm.s32 $0xAD00;
	p1 =	sle.s32 s5, $0x0;
	[sflag:s17] =	ssyncadd.s32 $0xFFFFB180  }
0x24: {  	p0 =	por $0x1, $0x1;
	p2 =	sle.s32 s5, $0x2;
	[bflag:$0x0] =	sbarrier.arrive $0xFFFF  }
0x25: {  	[tilespmem:s30], [sflag:$0x1] =	stream.indirect.gather [spmem:s2], $0x20, s4, s26, $0xb8;
	[tilespmem:$0x17D00] =	vst v63  }
0x26: {  	s0 =	simm.s32 @!p1 $0x1;
	p3 =	sle.s32 @!p0 s10, $0x0;
	s9 =	simm.s32 @!p2 $0xBD00  }
0x27: {  	[tilespmem:s31], [sflag:$0x2] =	stream.indirect.gather [spmem:s2], $0x20, s26, s26, $0xb8;
	[tilespmem:$0x17D00] =	vst v63  }
0x28: {  	s8 =	simm.s32 @!p1 $0x80;
	p5 =	por p3, p0;
	_ =	swait.ge @!p1 [sflag:s0], $0x1000  }
0x29: {  	p4 =	sle.s32 @!p0 s10, $0x1;
	s11 =	simm.s32 @!p5 $0x7;
	[sflag:s0] =	ssyncset.done @!p1 $0x0  }
0x2a: {  	s1 =	simm.s32 @!p1 $0x9D00;
	[sflag:s0] =	ssyncadd.s32 @!p1 $0xFFFFF000;
	s0 =	simm.s32 @!p1 $0x4E80  }
0x2b: {  	[spmem:s3] =	stream.indirect.scatter.add.f32 @!p1 [tilespmem:s1], [sflag:$0x5], $0x20, s0, s8, $0xb8;
	[tilespmem:$0x17D00] =	vst v63  }
0x2c: {  	s19 =	simm.s32 @!p2 $0x80;
	p3 =	sle.s32 s5, $0x1;
	_ =	swait.ge @!p5 [sflag:s11], $0x1000  }
0x2d: {  	p4 =	por p4, p0;
	p0 =	sle.s32 s5, $0x3;
	[sflag:s11] =	ssyncset.done @!p5 $0x0  }
0x2e: {  	s0 =	simm.s32 @!p2 $0x100;
	s8 =	simm.s32 @!p3 $0x2;
	[sflag:s11] =	ssyncadd.s32 @!p5 $0xFFFFF000  }
0x2f: {  	[tilespmem:s9], [sflag:$0x3] =	stream.indirect.gather @!p2 [spmem:s2], $0x20, s0, s19, $0xb8;
	[tilespmem:$0x17D00] =	vst v63  }
0x30: {  	s21 =	simm.s32 @!p3 $0x80;
	s28 =	simm.s32 @!p0 $0xCD00;
	_ =	swait.ge @!p3 [sflag:s8], $0x1000  }
0x31: {  	s29 =	simm.s32 @!p0 $0x5000;
	s1 =	simm.s32 @!p3 $0x4F00;
	[sflag:s8] =	ssyncset.done @!p3 $0x0  }
0x32: {  	s0 =	simm.s32 @!p4 $0x8;
	[sflag:s8] =	ssyncadd.s32 @!p3 $0xFFFFF000;
	s8 =	simm.s32 @!p3 $0xAD00  }
0x33: {  	[spmem:s3] =	stream.indirect.scatter.add.f32 @!p3 [tilespmem:s8], [sflag:$0x6], $0x20, s1, s21, $0xb8;
	[tilespmem:$0x17D00] =	vst v63  }
0x34: {  	s22 =	simm.s32 @!p0 $0x4;
	s24 =	simm.s32 $0x800;
	_ =	swait.ge @!p4 [sflag:s0], $0x1000  }
0x35: {  	s25 =	simm.s32 $0x4;
	s11 =	simm.s32 @!p0 $0x180;
	[sflag:s0] =	ssyncset.done @!p4 $0x0  }
0x36: {  	s1 =	simm.s32 @!p0 $0x80;
	[sflag:s0] =	ssyncadd.s32 @!p4 $0xFFFFF000;
	s0 =	simm.s32 @!p2 $0x3  }
0x37: {  	[tilespmem:s28], [sflag:$0x4] =	stream.indirect.gather @!p0 [spmem:s2], $0x20, s11, s1, $0xb8;
	[tilespmem:$0x17D00] =	vst v63  }
0x38: {  	s26 =	simm.s32 @!p2 $0x4F80;
	p5 =	sle.s32 s10, $0x3;
	_ =	swait.ge @!p2 [sflag:s0], $0x1000  }
0x39: {  	s21 =	simm.s32 @!p1 $0x5;
	p4 =	sle.s32 s5, $0x4;
	[sflag:s0] =	ssyncset.done @!p2 $0x0  }
0x3a: {  	s8 =	simm.s32 @!p4 $0x200;
	s11 =	simm.s32 @!p4 $0x9D00;
	[sflag:s0] =	ssyncadd.s32 @!p2 $0xFFFFF000  }
0x3b: {  	[spmem:s3] =	stream.indirect.scatter.add.f32 @!p2 [tilespmem:s9], [sflag:$0x7], $0x20, s26, s19, $0xb8;
	[tilespmem:$0x17D00] =	vst v63  }
0x3c: {  	s0 =	simm.s32 $0x5;
	p2 =	por p1, p1;
	_ =	swait.ge @!p1 [sflag:s21], $0x1000  }
0x3d: {  	s19 =	simm.s32 @!p5 $0x6;
	s9 =	simm.s32 $0x0;
	[sflag:s21] =	ssyncset.done @!p2 $0x0  }
.LBB2_2:
0x3e: {  	s12 =	simm.s32 @!p5 $0x0;
	s30 =	sadd.s32 $0x3, s25;
	s31 =	smov.u32 s24  }
0x3f: {  	s26 =	smov.u32 s25;
	p1 =	sge.s32 s25, s5;
	p3 =	seq.s32 s24, $0x0  }
0x40: {  	[sflag:s21] =	ssyncadd.s32 @!p2 $0xFFFFF000;
	s21 =	sadd.s32 $0x1, s25;
	s12 =	simm.s32 @p5 $0x1  }
0x41: {  	p5 =	sge.s32 s0, s5;
	s0 =	sadd.s32 $0x2, s25;
	s13 =	simm.s32 @!p1 $0x1  }
0x42: {  	s20 =	sshra.s32 @!p1 s24, $0x2;
	[smem:$0x7FB] =	sst s12;
	s12 =	simm.s32 @!p4 $0x80  }
0x43: {  	[tilespmem:s11], [sflag:$0x1] =	stream.indirect.gather @!p4 [spmem:s2], $0x20, s8, s12, $0xb8;
	[tilespmem:$0x17D00] =	vst v63  }
0x44: {  	p6 =	por p3, p3;
	p3 =	sge.s32 @!p3 s25, s10;
	_ =	swait.ge @!p0 [sflag:s22], $0x1000  }
0x45: {  	s9 =	sshra.s32 @!p5 s9, $0x2;
	p3 =	por p3, p6;
	[sflag:s22] =	ssyncset.done @!p0 $0x0  }
0x46: {  	s12 =	simm.s32 @!p3 $0x0;
	[sflag:s22] =	ssyncadd.s32 @!p0 $0xFFFFF000;
	s22 =	sld [smem:$0x7FB]  }
0x47: {  	s11 =	simm.s32 @!p5 $0x80;
	s12 =	simm.s32 @p3 $0x1;
	p3 =	por p6, p6  }
0x48: {  	[spmem:s3] =	stream.indirect.scatter.add.f32 @!p0 [tilespmem:s28], [sflag:$0x8], $0x20, s29, s1, $0xb8;
	[tilespmem:$0x17D00] =	vst v63  }
0x49: {  	[smem:$0x7FD] =	sst s12;
	p6 =	sge.s32 @!p3 s21, s10;
	p0 =	seq.s32 s22, $0x1  }
0x4a: {  	p4 =	sge.s32 s21, s5;
	s21 =	simm.s32 @!p6 $0x0;
	_ =	swait.ge @!p0 [sflag:s19], $0x1000  }
0x4b: {  	s9 =	sadd.s32 @!p5 $0x280, s9;
	s21 =	simm.s32 @p6 $0x1;
	[sflag:s19] =	ssyncset.done @!p0 $0x0  }
0x4c: {  	s12 =	simm.s32 @!p5 $0xAD00;
	[smem:$0x7FC] =	sst s21;
	[sflag:s19] =	ssyncadd.s32 @!p0 $0xFFFFF000  }
0x4d: {  	[tilespmem:s12], [sflag:$0x2] =	stream.indirect.gather @!p5 [spmem:s2], $0x20, s9, s11, $0xb8;
	[tilespmem:$0x17D00] =	vst v63  }
0x4e: {  	p2 =	sge.s32 s0, s5;
	s8 =	simm.s32 @!p1 $0x9D00;
	_ =	swait.ge @!p1 [sflag:s13], $0x1000  }
0x4f: {  	s1 =	simm.s32 @!p1 $0x80;
	s19 =	sld [smem:$0x7FC];
	[sflag:s13] =	ssyncset.done @!p1 $0x0  }
0x50: {  	s12 =	sadd.s32 @!p1 $0x4E80, s20;
	s21 =	sld [smem:$0x7FD];
	[sflag:s13] =	ssyncadd.s32 @!p1 $0xFFFFF000  }
0x51: {  	[spmem:s3] =	stream.indirect.scatter.add.f32 @!p1 [tilespmem:s8], [sflag:$0x5], $0x20, s12, s1, $0xb8;
	[tilespmem:$0x17D00] =	vst v63  }
0x52: {  	s25 =	sadd.s32 $0x4, s25;
	s0 =	simm.s32 @!p2 $0xBD00;
	p6 =	seq.s32 s19, $0x1  }
0x53: {  	s22 =	sshra.s32 @!p2 s24, $0x2;
	p5 =	por p6, p3;
	p3 =	seq.s32 s21, $0x1  }
0x54: {  	s28 =	sadd.s32 @!p2 $0x100, s22;
	p0 =	sge.s32 s30, s5;
	s11 =	simm.s32 @!p3 $0x7  }
0x55: {  	s9 =	sshra.s32 @!p4 s24, $0x2;
	s24 =	sadd.s32 $0x800, s24;
	_ =	swait.ge @!p3 [sflag:s11], $0x1000  }
0x56: {  	s20 =	sadd.s32 @!p2 $0x4F80, s22;
	s22 =	simm.s32 @!p0 $0x4;
	[sflag:s11] =	ssyncset.done @!p3 $0x0  }
0x57: {  	s13 =	simm.s32 @!p2 $0x80;
	[sflag:s11] =	ssyncadd.s32 @!p3 $0xFFFFF000;
	s11 =	simm.s32 @!p4 $0x2  }
0x58: {  	[tilespmem:s0], [sflag:$0x3] =	stream.indirect.gather @!p2 [spmem:s2], $0x20, s28, s13, $0xb8;
	[tilespmem:$0x17D00] =	vst v63  }
0x59: {  	s9 =	sadd.s32 @!p4 $0x4F00, s9;
	s1 =	sshra.s32 @!p0 s31, $0x2;
	_ =	swait.ge @!p4 [sflag:s11], $0x1000  }
0x5a: {  	s12 =	sadd.s32 @!p0 $0x180, s1;
	s19 =	simm.s32 @!p4 $0x80;
	[sflag:s11] =	ssyncset.done @!p4 $0x0  }
0x5b: {  	s8 =	simm.s32 @!p5 $0x8;
	[sflag:s11] =	ssyncadd.s32 @!p4 $0xFFFFF000;
	s11 =	simm.s32 @!p4 $0xAD00  }
0x5c: {  	[spmem:s3] =	stream.indirect.scatter.add.f32 @!p4 [tilespmem:s11], [sflag:$0x6], $0x20, s9, s19, $0xb8;
	[tilespmem:$0x17D00] =	vst v63  }
0x5d: {  	s29 =	sadd.s32 @!p0 $0x5000, s1;
	s1 =	simm.s32 @!p0 $0x80;
	_ =	swait.ge @!p5 [sflag:s8], $0x1000  }
0x5e: {  	s21 =	simm.s32 @!p1 $0x5;
	s28 =	simm.s32 @!p0 $0xCD00;
	[sflag:s8] =	ssyncset.done @!p5 $0x0  }
0x5f: {  	p4 =	sge.s32 s25, s5;
	s9 =	simm.s32 @!p2 $0x3;
	[sflag:s8] =	ssyncadd.s32 @!p5 $0xFFFFF000  }
0x60: {  	[tilespmem:s28], [sflag:$0x4] =	stream.indirect.gather @!p0 [spmem:s2], $0x20, s12, s1, $0xb8;
	[tilespmem:$0x17D00] =	vst v63  }
0x61: {  	p3 =	sne.s32 s24, $0x14000;
	s11 =	simm.s32 @!p4 $0x9D00;
	_ =	swait.ge @!p2 [sflag:s9], $0x1000  }
.Ltmp0:
0x62: {  	s8 =	sshra.s32 @!p4 s31, $0x2;
	[sflag:s9] =	ssyncset.done @!p2 $0x0;
	(pc) =	sbr.rel @p3 .LBB2_2-.Ltmp0, $4  }
0x63: {  	p5 =	sge.s32 s30, s10;
	s8 =	sadd.s32 @!p4 $0x200, s8;
	[sflag:s9] =	ssyncadd.s32 @!p2 $0xFFFFF000  }
0x64: {  	[spmem:s3] =	stream.indirect.scatter.add.f32 @!p2 [tilespmem:s0], [sflag:$0x7], $0x20, s20, s13, $0xb8;
	[tilespmem:$0x17D00] =	vst v63  }
0x65: {  	s19 =	simm.s32 @!p5 $0x6;
	p2 =	por p1, p1;
	_ =	swait.ge @!p1 [sflag:s21], $0x1000  }
0x66: {  	s9 =	smov.u32 s31;
	s0 =	sadd.s32 $0x5, s26;
	[sflag:s21] =	ssyncset.done @!p2 $0x0  }
0x67: {  	s12 =	simm.s32 @!p4 $0x80;
	[sflag:s21] =	ssyncadd.s32 @!p2 $0xFFFFF000  }
0x68: {  	[tilespmem:s11], [sflag:$0x1] =	stream.indirect.gather @!p4 [spmem:s2], $0x20, s8, s12, $0xb8;
	[tilespmem:$0x17D00] =	vst v63  }
0x69: {  	_ =	swait.ge @!p0 [sflag:s22], $0x1000  }
0x6a: {  	[sflag:s22] =	ssyncset.done @!p0 $0x0  }
0x6b: {  	[sflag:s22] =	ssyncadd.s32 @!p0 $0xFFFFF000  }
0x6c: {  	[spmem:s3] =	stream.indirect.scatter.add.f32 @!p0 [tilespmem:s28], [sflag:$0x8], $0x20, s29, s1, $0xb8;
	[tilespmem:$0x17D00] =	vst v63  }
0x6d: {  	p0 =	sge.s32 s0, s5;
	_ =	swait.ge @!p5 [sflag:s19], $0x1000  }
0x6e: {  	s0 =	sshra.s32 @!p0 s9, $0x2;
	s1 =	simm.s32 @!p0 $0x80;
	[sflag:s19] =	ssyncset.done @!p5 $0x0  }
0x6f: {  	s8 =	simm.s32 @!p0 $0xAD00;
	s0 =	sadd.s32 @!p0 $0x280, s0;
	[sflag:s19] =	ssyncadd.s32 @!p5 $0xFFFFF000  }
0x70: {  	[tilespmem:s8], [sflag:$0x2] =	stream.indirect.gather @!p0 [spmem:s2], $0x20, s0, s1, $0xb8;
	[tilespmem:$0x17D00] =	vst v63  }
0x71: {  	[bflag:$0x0] =	sbarrier.arrive $0xFFFF  }
0x72: {  	s30 =	rddreg [dreg:$0x8]  }
0x73: {  	[hbm:s30@s16], [sflag:s7] =	dma.strided [spmem:s18@s15], $0xA00, s14, $0x4   }
0x74: {  	_ =	swait.ge [sflag:s17], $0xA00  }
0x75: {  	s23 =	sadd.s32 $0x1, s23;
	s31 =	rddreg [dreg:$0x9]  }
0x76: {  	p0 =	sne.s32 s23, s31  }
.Ltmp1:
0x77: {  	_ = 	snop;
	(pc) =	sbr.rel @p0 .LBB2_1-.Ltmp1, $3  }
0x78: {  	_ =	sdelay $0x1  }
0x79: {  	[sflag:s17] =	ssyncset.done $0x0  }
0x7a: {  	[sflag:s17] =	ssyncadd.s32 $0xFFFFF600  }
0x7b: {  	_ =	sfence.sel $0x180000  }
0x7c: {  	[bflag:$0x0] =	sbarrier.arrive $0xFFFF  }
0x7d: {  	_ =	strace $0x9000004D  }
0x7e: {  	s0 =	stileid.u32;
	[bflag:$0x2] =	sbarrier.arrive $0xFFFF  }
0x7f: {  	p0 =	sne.s32 s0, $0x0;
	s0 =	rddreg [dreg:$0x5]  }
0x80: {  	s0 =	sadd.s32 @!p0 $0x100000, s0  }
0x81: {  	[sflag:s0] =	ssyncadd.tile.s32 @!p0 $0x1;
	_ =	shalt  }
.Lfunc_end2:
_tile_overlayer_lowered:
.L_overlay_start_2:
0x82: {  	(tag) =	ssettag $0x2  }
0x83: {  	s0 =	rddreg [dreg:$0x0];
	s2 =	stileid.u32  }
0x84: {  	s1 =	rddreg [dreg:$0x1];
	p0 =	sne.s32 s2, $0x0  }
0x85: {  	s3 =	rddreg [dreg:$0x2];
	[bflag:$0x3] =	sbarrier.arrive $0xFFFF;
	s2 =	simm.s32 @!p0 $0x1C09  }
0x86: {  	[timem:s3], [sflag:s2] =	dma.local @!p0 [hbm:s0], s1  }
0x87: {  	s0 =	simm.s32 @!p0 $0x9  }
0x88: {  	_ =	swait.ge @!p0 [sflag:s0], s1  }
0x89: {  	s1 =	ssub.s32 @!p0 $0x0, s1;
	[sflag:s0] =	ssyncset.done @!p0 $0x0  }
0x8a: {  	[sflag:s0] =	ssyncadd.s32 @!p0 s1  }
0x8b: {  	[bflag:$0x3] =	sbarrier.arrive $0xFFFF  }
0x8c: {  	_ =	shalt  }

// kernel: kernel.8.cloned.1.call-start
scs
__scs_entry_jumppad:
0x0: {  	(pc) =	sbr.rel $0x88, $3  }
0x1: {  	(tag) =	ssettag $0x0;
	lr =	simm.s32 $0x1  }
0x2: {  	[smem:$0x3F99] =	sst lr;
	_ =	strace $0xD0000000  }
0x3: {  	_ = 	snop  }
0x4: {  	_ = 	snop  }
0x5: {  	_ = 	snop  }
0x6: {  	_ = 	snop  }
0x7: {  	_ = 	snop  }
__scs_overlays_trampoline_lowered:
0x8: {  	[smem:$0x3FA8] =	sst s0  }
0x9: {  	[smem:$0x3FA9] =	sst s1  }
0xa: {  	[smem:$0x3FAA] =	sst s2  }
0xb: {  	[smem:$0x3FAB] =	sst s3  }
0xc: {  	[smem:$0x3FAC] =	sst s4  }
0xd: {  	[smem:$0x3FAD] =	sst s5  }
0xe: {  	[smem:$0x3FAE] =	sst s6  }
0xf: {  	[smem:$0x3FAF] =	sst s7  }
0x10: {  	[smem:$0x3FB0] =	sst s8  }
0x11: {  	[smem:$0x3FB1] =	sst s9;
	s0 =	simm.s32 @!p0 $0x0  }
0x12: {  	s1 =	sld [smem:$0x3F97];
	s0 =	simm.s32 @p0 $0x1  }
0x13: {  	[smem:$0x3FB2] =	sst s0;
	s0 =	simm.s32 @!p1 $0x0  }
0x14: {  	s2 =	sld [smem:$0x3F96];
	s0 =	simm.s32 @p1 $0x1  }
0x15: {  	[smem:$0x3FB3] =	sst s0;
	s0 =	simm.s32 @!p2 $0x0  }
0x16: {  	s3 =	sld [smem:$0x3FDB];
	s0 =	simm.s32 @p2 $0x1  }
0x17: {  	s4 =	simm.s32 $0x1BF5;
	[smem:$0x3FB5] =	sst s0  }
0x18: {  	s0 =	sld [smem:$0x3F98];
	_ =	swait.ge [sflag:s4], $0x0  }
0x19: {  	s7 =	sld [smem:$0x3F99]  }
0x1a: {  	s8 =	sadd.s32 $0xFFFFE003, lr  }
0x1b: {  	s9 =	sadd.s32 $0xFFFFFEF7, lr;
	s5 =	simm.s32 $0xFFFFFFFF;
	p2 =	slt.u32 s8, $0xFFFFF086  }
0x1c: {  	p1 =	slt.u32 s9, $0xF7A;
	s5 =	simm.s32 @!p2 $0x0  }
0x1d: {  	s5 =	simm.s32 @p1 $0x1;
	p0 =	seq.s32 s7, s2  }
0x1e: {  	s7 =	smul.u32 @!p0 $0xF7A, s2;
	p2 =	seq.s32 @!p0 s5, $0x0  }
0x1f: {  	s9 =	smul.u32 $0xF7A, s1;
	s8 =	simm.s32 @!p0 $0x1BF5;
	p2 =	por !p2, p0  }
0x20: {  	[sflag:s8] =	ssyncset.s32 @!p0 $0xFFFFF086;
	s6 =	sadd.s32 @!p0 s3, s7;
	s7 =	simm.s32 @!p0 $0x108  }
0x21: {  	s3 =	sadd.s32 s3, s9;
	s6 =	sadd.s32 @!p0 $0x88, s6;
	s7 =	simm.s32 @p2 $0x1082  }
0x22: {  	[simem:s7], [sflag:s8] =	dma.local @!p0 [hbm:s6], $0xF7A  }
0x23: {  	s9 =	sor.u32 $0xD0000000, s2;
	s6 =	simm.s32 $0x108;
	_ =	swait.ge @!p0 [sflag:s8], $0x0  }
0x24: {  	s3 =	sadd.s32 $0x88, s3;
	s6 =	simm.s32 @!p1 $0x1082;
	[sflag:s4] =	ssyncset.s32 $0xFFFFF086  }
0x25: {  	[simem:s6], [sflag:s4] =	dma.local [hbm:s3], $0xF7A  }
0x26: {  	[smem:$0x3F99] =	sst s1;
	(tag) =	ssettag s2;
	_ =	strace s9  }
0x27: {  	s1 =	sld [smem:$0x3FA9]  }
0x28: {  	s2 =	sld [smem:$0x3FAA]  }
0x29: {  	s4 =	sld [smem:$0x3FAC]  }
0x2a: {  	p0 =	seq.s32 s5, $0x0;
	s5 =	sld [smem:$0x3FAD]  }
0x2b: {  	s6 =	sld [smem:$0x3FAE]  }
0x2c: {  	s7 =	sld [smem:$0x3FAF]  }
0x2d: {  	s3 =	simm.s32 $0x108;
	s8 =	sld [smem:$0x3FB0]  }
0x2e: {  	s3 =	simm.s32 @!p0 $0x1082;
	s9 =	sld [smem:$0x3FB1]  }
0x2f: {  	lr =	sadd.s32 s0, s3;
	s0 =	sld [smem:$0x3FA8]  }
0x30: {  	s3 =	sld [smem:$0x3FAB]  }
0x31: {  	[smem:$0x3FB4] =	sst s10  }
0x32: {  	s10 =	sld [smem:$0x3FB2];
	_ =	sdelay $0x3  }
0x33: {  	p0 =	seq.s32 s10, $0x1;
	s10 =	sld [smem:$0x3FB4];
	_ =	sdelay $0x3  }
0x34: {  	[smem:$0x3FB4] =	sst s10  }
0x35: {  	s10 =	sld [smem:$0x3FB3];
	_ =	sdelay $0x3  }
0x36: {  	p1 =	seq.s32 s10, $0x1;
	s10 =	sld [smem:$0x3FB4];
	_ =	sdelay $0x3  }
0x37: {  	[smem:$0x3FB4] =	sst s10  }
0x38: {  	s10 =	sld [smem:$0x3FB5]  }
0x39: {  	_ = 	snop;
	(pc) =	sbr.ind lr, $3  }
0x3a: {  	_ = 	snop  }
0x3b: {  	_ = 	snop  }
0x3c: {  	p2 =	seq.s32 s10, $0x1;
	s10 =	sld [smem:$0x3FB4]  }
0x3d: {  	_ =	shalt  }
0x3e: {  	_ =	shalt  }
0x3f: {  	_ =	shalt  }
0x40: {  	_ =	shalt  }
0x41: {  	_ =	shalt  }
0x42: {  	_ =	shalt  }
0x43: {  	_ =	shalt  }
0x44: {  	_ =	shalt  }
0x45: {  	_ =	shalt  }
0x46: {  	_ =	shalt  }
0x47: {  	_ =	shalt  }
0x48: {  	_ =	shalt  }
0x49: {  	_ =	shalt  }
0x4a: {  	_ =	shalt  }
0x4b: {  	_ =	shalt  }
0x4c: {  	_ =	shalt  }
0x4d: {  	_ =	shalt  }
0x4e: {  	_ =	shalt  }
0x4f: {  	_ =	shalt  }
0x50: {  	_ =	shalt  }
0x51: {  	_ =	shalt  }
0x52: {  	_ =	shalt  }
0x53: {  	_ =	shalt  }
0x54: {  	_ =	shalt  }
0x55: {  	_ =	shalt  }
0x56: {  	_ =	shalt  }
0x57: {  	_ =	shalt  }
0x58: {  	_ =	shalt  }
0x59: {  	_ =	shalt  }
0x5a: {  	_ =	shalt  }
0x5b: {  	_ =	shalt  }
0x5c: {  	_ =	shalt  }
0x5d: {  	_ =	shalt  }
0x5e: {  	_ =	shalt  }
0x5f: {  	_ =	shalt  }
0x60: {  	_ =	shalt  }
0x61: {  	_ =	shalt  }
0x62: {  	_ =	shalt  }
0x63: {  	_ =	shalt  }
0x64: {  	_ =	shalt  }
0x65: {  	_ =	shalt  }
0x66: {  	_ =	shalt  }
0x67: {  	_ =	shalt  }
0x68: {  	_ =	shalt  }
0x69: {  	_ =	shalt  }
0x6a: {  	_ =	shalt  }
0x6b: {  	_ =	shalt  }
0x6c: {  	_ =	shalt  }
0x6d: {  	_ =	shalt  }
0x6e: {  	_ =	shalt  }
0x6f: {  	_ =	shalt  }
0x70: {  	_ =	shalt  }
0x71: {  	_ =	shalt  }
0x72: {  	_ =	shalt  }
0x73: {  	_ =	shalt  }
0x74: {  	_ =	shalt  }
0x75: {  	_ =	shalt  }
0x76: {  	_ =	shalt  }
0x77: {  	_ =	shalt  }
0x78: {  	_ =	shalt  }
0x79: {  	_ =	shalt  }
0x7a: {  	_ =	shalt  }
0x7b: {  	_ =	shalt  }
0x7c: {  	_ =	shalt  }
0x7d: {  	_ =	shalt  }
0x7e: {  	_ =	shalt  }
0x7f: {  	_ =	shalt  }
0x80: {  	_ =	shalt  }
0x81: {  	_ =	shalt  }
0x82: {  	_ =	shalt  }
0x83: {  	_ =	shalt  }
0x84: {  	_ =	shalt  }
0x85: {  	_ =	shalt  }
0x86: {  	_ =	shalt  }
0x87: {  	_ =	shalt  }
.Lfunc_end0:
.L_simem_size_0:
called_computation_lowered:
.L_overlay_start_0:
0x88: {  	s2 =	sld [smem:$0x3FD9]  }
0x89: {  	s3 =	sld [smem:$0x3FFE];
	_ =	sdelay $0x1  }
0x8a: {  	s1 =	srdreg.scid  }
0x8b: {  	s0 =	sand.u32 $0x1, s1  }
0x8c: {  	s14 =	sshll.u32 s0, $0xA;
	s2 =	sadd.s32 s3, s2  }
0x8d: {  	s2 =	sadd.s32 s2, s14  }
0x8e: {  	[smem:$0x3FC0] =	sst s2  }
0x8f: {  	_ = 	snop  }
0x90: {  	s2 =	sld [smem:$0x3FD0];
	_ =	sdelay $0x2  }
0x91: {  	s15 =	simm.s32 $0xA;
	s4 =	simm.s32 $0x10  }
0x92: {  	[smem:s4], [sflag:s15] =	dma.local [hbm:s2], $0x1  }
0x93: {  	_ =	swait.eq [sflag:s15], $0x1  }
0x94: {  	[sflag:s15] =	ssyncset.done $0x0  }
0x95: {  	[sflag:s15] =	ssyncadd.s32 $0xFFFFFFFF  }
0x96: {  	s16 =	sld [smem:$0x10];
	(tm) =	ssettm $0x1  }
0x97: {  	s17 =	sld [smem:$0x3FFB];
	_ =	sdelay $0x3  }
0x98: {  	_ =	strace s17  }
0x99: {  	s3 =	sld [smem:$0x3FFC];
	_ =	sdelay $0x3  }
0x9a: {  	_ =	strace s3  }
0x9b: {  	s3 =	sld [smem:$0x3FFD];
	_ =	sdelay $0x3  }
0x9c: {  	_ =	strace s3  }
0x9d: {  	_ =	strace $0x8FFFFFFF  }
0x9e: {  	s18 =	sld [smem:$0x3FDB];
	_ =	sdelay $0x1  }
0x9f: {  	s19 =	simm.s32 $_scs_section_size  }
0xa0: {  	s5 =	simm.s32 $_size__tile_overlayer_lowered;
	s6 =	simm.s32 $_tile_overlayer_lowered  }
0xa1: {  	s22 =	simm.s32 $0x1BFF;
	s21 =	sshll.u32 s6, $0x1;
	s3 =	sadd.s32 s19, s18  }
0xa2: {  	s7 =	simm.s32 $0x0;
	s20 =	sshll.u32 s5, $0x1;
	s5 =	sadd.s32 s21, s3  }
0xa3: {  	[timem:s7], [sflag:s22] =	dma.local [hbm:s5], s20  }
0xa4: {  	_ =	swait.ge [sflag:s22], s20  }
0xa5: {  	s4 =	ssub.s32 $0x0, s20;
	[sflag:s22] =	ssyncset.done $0x0  }
0xa6: {  	[sflag:s22] =	ssyncadd.s32 s4;
	_ =	sdelay $0x1  }
0xa7: {  	s23 =	simm.s32 $0x1B8B  }
0xa8: {  	_ =	swait.ge [sflag:s23], $0x1  }
0xa9: {  	[sflag:s23] =	ssyncset.done $0x0  }
0xaa: {  	s25 =	simm.s32 $0x1B8E;
	s24 =	sld [smem:$0x3FFE];
	[sflag:s23] =	ssyncadd.s32 $0xFFFFFFFF  }
0xab: {  	s26 =	simm.s32 $execute0_lowered;
	[smem:$0x3FD2] =	sst s25  }
0xac: {  	s5 =	sshll.u32 s26, $0x1;
	_ =	strace $0x80000046;
	[dreg:$0x1] =	wrdreg $0xFFFFFFFF  }
0xad: {  	s28 =	simm.s32 $_size_execute0_lowered;
	s3 =	sadd.s32 s3, s5;
	[dreg:$0x0] =	wrdreg $0x0  }
0xae: {  	s5 =	sshll.u32 s28, $0x1;
	[dreg:$0x2] =	wrdreg s3  }
0xaf: {  	[dreg:$0x3] =	wrdreg s5  }
0xb0: {  	[dreg:$0x4] =	wrdreg $0xC0  }
0xb1: {  	_ =	task [dreg:s7], $0x5FFFF  }
0xb2: {  	[dreg:$0x1] =	wrdreg $0xFFFFFFFF  }
0xb3: {  	[dreg:$0x0] =	wrdreg $0x60  }
0xb4: {  	[dreg:$0x2] =	wrdreg s16  }
0xb5: {  	[dreg:$0x3] =	wrdreg s24  }
0xb6: {  	[dreg:$0x4] =	wrdreg $0x2A800  }
0xb7: {  	[dreg:$0x5] =	wrdreg $0x9  }
0xb8: {  	_ =	task.clear_ibuf [dreg:s7], $0x6FFFF;
	_ =	strace $0x90000046  }
0xb9: {  	s29 =	simm.s32 $0x9;
	_ =	strace $0x80000048  }
0xba: {  	_ =	swait.ge [sflag:s29], $0x1  }
0xbb: {  	[sflag:s29] =	ssyncadd.s32 $0xFFFFFFFF  }
0xbc: {  	_ =	strace $0x90000048  }
0xbd: {  	_ =	sfence  }
0xbe: {  	s30 =	sld [smem:$0x0];
	_ =	sdelay $0x2  }
0xbf: {  	s31 =	sshll.u32 s1, $0xD;
	s1 =	sshrl.u32 s1, $0x2  }
0xc0: {  	s3 =	sand.u32 $0x4000, s31;
	s1 =	sadd.s32 s1, s30  }
0xc1: {  	s0 =	sor.u32 s3, s0;
	s1 =	sshll.u32 s1, $0x11  }
0xc2: {  	s0 =	sor.u32 s1, s0  }
0xc3: {  	s0 =	sadd.s32 $0x8F2B, s0  }
0xc4: {  	[sflag:s0] =	ssyncadd.remote.s32 $0x1  }
0xc5: {  	_ =	sfence.sel $0xFFFF  }
0xc6: {  	[dreg:$0x0] =	wrdreg $0xFFFFFFFF;
	(pc) =	sbr.abs _section_cstart, $3  }
0xc7: {  	[dreg:$0x1] =	wrdreg $0xFFFFFFFF  }
0xc8: {  	_ =	task.clear_ibuf [dreg:s7], $0x2FFFF;
	_ =	strace $0x9FFFFFFF  }
0xc9: {  	(tm) =	ssettm $0x7FFFFFFF  }
tec
execute0_lowered:
.L_overlay_start_1:
0x0: {  	(tag) =	ssettag $0x1  }
0x1: {  	s6 =	rddreg [dreg:$0x0]  }
0x2: {  	s1 =	srdreg.scid;
	s4 =	rddreg [dreg:$0x1]  }
0x3: {  	s0 =	stileid.u32;
	s2 =	rddreg [dreg:$0x2];
	s3 =	simm.s32 $0x0  }
0x4: {  	s12 =	simm.s32 $0x2780;
	s13 =	simm.s32 $0x1;
	s16 =	simm.s32 $0x0  }
0x5: {  	s5 =	sand.u32 $0x1, s1;
	s7 =	smul.u32 $0x280, s0;
	s1 =	rddreg [dreg:$0x3]  }
0x6: {  	[smem:$0x7FF] =	sst s3;
	s14 =	sshll.u32 s0, $0x6;
	s8 =	smul.u32 $0x2800, s5  }
0x7: {  	s9 =	sshll.u32 s5, $0x4;
	s5 =	ssub.s32 $0x2, s5;
	_ =	strace $0x80000047  }
0x8: {  	s9 =	sor.u32 s0, s9;
	s29 =	sshrl.u32 s5, $0x1;
	s8 =	sadd.s32 s7, s8  }
0x9: {  	s9 =	smul.u32 $0x9C4, s9;
	s10 =	ssub.s32 s5, s29;
	s5 =	sadd.s32 s7, s2  }
0xa: {  	s14 =	sor.u32 $0x1C02, s14;
	s8 =	sshrl.u32 s8, $0x3;
	s15 =	sshrl.u32 s5, $0x3  }
.Ltmp0:
0xb: {  	s8 =	sadd.s32 s8, s4;
	s30 =	sadd.s32 $0x9C4, s9;
	(pc) =	sbr.rel .LBB2_1-.Ltmp0, $4  }
0xc: {  	s31 =	sshrl.u32 s9, $0x1;
	s9 =	sshrl.u32 s9, $0x5;
	s4 =	sshrl.u32 s30, $0x5  }
0xd: {  	s11 =	sand.u32 $0xFFF0, s31;
	s7 =	sadd.s32 $0x1C00, s8;
	s8 =	smax.u32 s10, $0x1  }
0xe: {  	s10 =	simm.s32 $0x2;
	s4 =	ssub.s32 s4, s9;
	s6 =	sadd.s32 s6, s11  }
0xf: {  	v0 =	vimm.f32 $0.0e+00;
	v1 =	vimm.f32 $1.000000000e+00;
	s9 =	simm.s32 $0x2800;
	s11 =	simm.s32 $0x80;
	p0 =	slt.s32 s4, $0x1  }
.LBB2_6:
0x10: {  	[sflag:s13] =	ssyncadd.s32 $0xFFFFFF80  }
.LBB2_7:
0x11: {  	s16 =	sadd.s32 $0x1, s16  }
0x12: {  	p1 =	sne.s32 s16, s8  }
.Ltmp1:
0x13: {  	[bflag:$0x0] =	sbarrier.arrive $0xFFFF;
	(pc) =	sbr.rel @!p1 .LBB2_8-.Ltmp1, $4  }
0x14: {  	[hbm:s7], [sflag:s14] =	dma.local [spmem:s15], $0x50  }
0x15: {  	_ =	swait.ge [sflag:s10], $0x50  }
0x16: {  	[sflag:s10] =	ssyncset.done $0x0  }
0x17: {  	[sflag:s10] =	ssyncadd.s32 $0xFFFFFFB0  }
.LBB2_1:
0x18: {  	[tilespmem:$0x2800] =	vst v0  }
0x19: {  	[tilespmem:$0x2810] =	vst v0  }
0x1a: {  	[tilespmem:$0x2820] =	vst v0  }
0x1b: {  	[tilespmem:$0x2830] =	vst v0  }
0x1c: {  	[tilespmem:$0x2840] =	vst v0  }
0x1d: {  	[tilespmem:$0x2850] =	vst v0  }
0x1e: {  	[tilespmem:$0x2860] =	vst v0  }
0x1f: {  	[tilespmem:$0x2870] =	vst v0  }
0x20: {  	[tilespmem:$0x2880] =	vst v0  }
0x21: {  	[tilespmem:$0x2890] =	vst v0  }
0x22: {  	[tilespmem:$0x28A0] =	vst v0  }
0x23: {  	[tilespmem:$0x28B0] =	vst v0  }
0x24: {  	[tilespmem:$0x28C0] =	vst v0  }
0x25: {  	[tilespmem:$0x28D0] =	vst v0  }
0x26: {  	[tilespmem:$0x28E0] =	vst v0  }
0x27: {  	[tilespmem:$0x28F0] =	vst v0  }
0x28: {  	[tilespmem:$0x2900] =	vst v0  }
0x29: {  	[tilespmem:$0x2910] =	vst v0  }
0x2a: {  	[tilespmem:$0x2920] =	vst v0  }
0x2b: {  	[tilespmem:$0x2930] =	vst v0  }
0x2c: {  	[tilespmem:$0x2940] =	vst v0  }
0x2d: {  	[tilespmem:$0x2950] =	vst v0  }
0x2e: {  	[tilespmem:$0x2960] =	vst v0  }
0x2f: {  	[tilespmem:$0x2970] =	vst v0  }
0x30: {  	[tilespmem:$0x2980] =	vst v0  }
0x31: {  	[tilespmem:$0x2990] =	vst v0  }
0x32: {  	[tilespmem:$0x29A0] =	vst v0  }
0x33: {  	[tilespmem:$0x29B0] =	vst v0  }
0x34: {  	[tilespmem:$0x29C0] =	vst v0  }
0x35: {  	[tilespmem:$0x29D0] =	vst v0  }
0x36: {  	[tilespmem:$0x29E0] =	vst v0  }
0x37: {  	[tilespmem:$0x29F0] =	vst v0  }
0x38: {  	[tilespmem:$0x2A00] =	vst v0  }
0x39: {  	[tilespmem:$0x2A10] =	vst v0  }
0x3a: {  	[tilespmem:$0x2A20] =	vst v0  }
0x3b: {  	[tilespmem:$0x2A30] =	vst v0  }
0x3c: {  	[tilespmem:$0x2A40] =	vst v0  }
0x3d: {  	[tilespmem:$0x2A50] =	vst v0  }
0x3e: {  	[tilespmem:$0x2A60] =	vst v0  }
0x3f: {  	[tilespmem:$0x2A70] =	vst v0  }
0x40: {  	[spmem:s5] =	stream.linear.scatter [tilespmem:s9], [sflag:$0x2], $0x280, $0x38;
	[tilespmem:$0x2D00] =	vst v63  }
0x41: {  	_ =	swait.ge [sflag:s10], $0x280  }
0x42: {  	[sflag:s10] =	ssyncset.done $0x0  }
0x43: {  	[sflag:s10] =	ssyncadd.s32 $0xFFFFFD80  }
0x44: {  	[tilespmem:$0x2780] =	vst v1  }
0x45: {  	[tilespmem:$0x2790] =	vst v1  }
0x46: {  	[tilespmem:$0x27A0] =	vst v1  }
0x47: {  	[tilespmem:$0x27B0] =	vst v1  }
0x48: {  	[tilespmem:$0x27C0] =	vst v1  }
0x49: {  	[tilespmem:$0x27D0] =	vst v1  }
0x4a: {  	[tilespmem:$0x27E0] =	vst v1  }
0x4b: {  	[tilespmem:$0x27F0] =	vst v1  }
0x4c: {  	[tilespmem:s3], [sflag:$0x2] =	stream.linear.gather [hbm4b:s6+s3], $0x2780, $0x38;
	[tilespmem:$0x2D00] =	vst v63  }
.Ltmp2:
0x4d: {  	_ =	swait.ge [sflag:s10], $0x2780;
	(pc) =	sbr.rel @p0 .LBB2_7-.Ltmp2, $3  }
0x4e: {  	[sflag:s10] =	ssyncset.done $0x0  }
0x4f: {  	[sflag:s10] =	ssyncadd.s32 $0xFFFFD880  }
0x50: {  	[bflag:$0x0] =	sbarrier.arrive $0xFFFF;
	_ =	sdelay $0x1  }
0x51: {  	s17 =	sadd.s32 $0x1, s3  }
0x52: {  	p1 =	slt.s32 s17, s4  }
.Ltmp3:
0x53: {  	_ = 	snop;
	(pc) =	sbr.rel @!p1 .LBB2_4-.Ltmp3, $3  }
0x54: {  	_ =	sdelay $0x1  }
0x55: {  	[spmem:s2] =	stream.indirect.scatter.add.f32 [tilespmem:s12], [sflag:$0x1], $0x1, s3, s11, $0xb8;
	[tilespmem:$0x2D00] =	vst v63  }
0x56: {  	s18 =	simm.s32 $0x0  }
.LBB2_3:
0x57: {  	s17 =	sadd.s32 $0x1, s17  }
0x58: {  	p1 =	slt.s32 s17, s4  }
.Ltmp4:
0x59: {  	_ = 	snop;
	(pc) =	sbr.rel @p1 .LBB2_3-.Ltmp4, $3  }
0x5a: {  	_ = 	snop  }
0x5b: {  	s18 =	sadd.s32 $0x80, s18;
	_ =	sdelay $0x1  }
0x5c: {  	[spmem:s2] =	stream.indirect.scatter.add.f32 [tilespmem:s12], [sflag:$0x1], $0x1, s18, s11, $0xb8;
	[tilespmem:$0x2D00] =	vst v63  }
.LBB2_4:
0x5d: {  	p1 =	sgt.s32 s4, $0x1  }
.Ltmp5:
0x5e: {  	_ = 	snop;
	(pc) =	sbr.rel @!p1 .LBB2_6-.Ltmp5, $3  }
0x5f: {  	_ =	sdelay $0x1  }
0x60: {  	_ =	swait.ge [sflag:s13], $0x80  }
0x61: {  	s17 =	simm.s32 $0x1;
	[sflag:s13] =	ssyncset.done $0x0  }
.LBB2_5:
0x62: {  	s17 =	sadd.s32 $0x1, s17  }
0x63: {  	[sflag:s13] =	ssyncadd.s32 $0xFFFFFF80;
	p1 =	slt.s32 s17, s4  }
.Ltmp6:
0x64: {  	(pc) =	sbr.rel @p1 .LBB2_5-.Ltmp6, $3  }
0x65: {  	_ =	sdelay $0x1  }
0x66: {  	_ =	swait.ge [sflag:s13], $0x80  }
0x67: {  	[sflag:s13] =	ssyncset.done $0x0  }
.Ltmp7:
0x68: {  	_ = 	snop;
	(pc) =	sbr.rel .LBB2_6-.Ltmp7, $1  }
0x69: {  	_ =	sdelay $0x3  }
.LBB2_8:
0x6a: {  	_ =	sfence.sel $0x180000  }
0x6b: {  	[bflag:$0x0] =	sbarrier.arrive $0xFFFF  }
0x6c: {  	p0 =	sne.s32 s0, $0x0;
	_ =	strace $0x90000047  }
0x6d: {  	s0 =	sadd.s32 @!p0 $0x100000, s1;
	[bflag:$0x2] =	sbarrier.arrive $0xFFFF  }
0x6e: {  	[sflag:s0] =	ssyncadd.tile.s32 @!p0 $0x1;
	_ =	shalt  }
.Lfunc_end2:
_tile_overlayer_lowered:
.L_overlay_start_2:
0x6f: {  	(tag) =	ssettag $0x2  }
0x70: {  	s0 =	rddreg [dreg:$0x0];
	s2 =	stileid.u32  }
0x71: {  	s1 =	rddreg [dreg:$0x1];
	p0 =	sne.s32 s2, $0x0  }
0x72: {  	s3 =	rddreg [dreg:$0x2];
	[bflag:$0x3] =	sbarrier.arrive $0xFFFF;
	s2 =	simm.s32 @!p0 $0x1C02  }
0x73: {  	[timem:s3], [sflag:s2] =	dma.local @!p0 [hbm:s0], s1  }
0x74: {  	s0 =	simm.s32 @!p0 $0x2  }
0x75: {  	_ =	swait.ge @!p0 [sflag:s0], s1  }
0x76: {  	s1 =	ssub.s32 @!p0 $0x0, s1;
	[sflag:s0] =	ssyncset.done @!p0 $0x0  }
0x77: {  	[sflag:s0] =	ssyncadd.s32 @!p0 s1  }
0x78: {  	[bflag:$0x3] =	sbarrier.arrive $0xFFFF  }
0x79: {  	_ =	shalt  }

</sc_bundles>
